<compile_context>
chip_gen: v7x
topology: tpu7x:2x2x1
jax: 0.10.2.dev20260603
libtpu: 0.0.44.dev20260713+nightly
codegen_flags: <defaults>
</compile_context>

<pallas_src>
import functools

import jax
import jax.numpy as jnp
from jax import lax
from jax.experimental import pallas as pl
from jax.experimental.pallas import tpu as pltpu
from jax.experimental.pallas import tpu_sc as plsc

NUM_CLASSES = 256
CAP = 32
DIM = 1024
M_FIXED = 1024
BATCH = 1024
K_MOM = 0.99

ROWS = NUM_CLASSES * CAP
IW = 128
IR = ROWS // IW


def _tc_ranks(classes_b, classes_col):

    def body(cls_ref, clsc_ref, out_ref):
        cls_row = cls_ref[0:1, :]
        cls_col = clsc_ref[:, 0:1]
        ltri = (lax.broadcasted_iota(jnp.int32, (BATCH, BATCH), 0)
                < lax.broadcasted_iota(jnp.int32, (BATCH, BATCH), 1))
        same = cls_col == cls_row
        a = jnp.where(ltri & same, 1.0, 0.0)
        ranks = jnp.sum(a, axis=0, keepdims=True)
        out_ref[...] = jnp.broadcast_to(ranks, (8, BATCH))

    return pl.pallas_call(
        body,
        grid=(1,),
        in_specs=[
            pl.BlockSpec((8, BATCH), lambda i: (0, 0)),
            pl.BlockSpec((BATCH, 128), lambda i: (0, 0)),
        ],
        out_specs=pl.BlockSpec((8, BATCH), lambda i: (0, 0)),
        out_shape=jax.ShapeDtypeStruct((8, BATCH), jnp.float32),
    )(classes_b, classes_col)


def _tc_indices(classes_b, ranks_b):

    def body(cls_ref, rnk_ref, out_ref):
        cls_row = cls_ref[0:1, :]
        ranks = rnk_ref[0:1, :]
        pos_row = lax.broadcasted_iota(jnp.int32, (1, BATCH), 1).astype(
            jnp.float32)
        ones_row = jnp.ones((1, BATCH), jnp.float32)

        pid = pl.program_id(0)
        blk = 8
        for rr in range(blk):
            kbase = pid * blk * IW + rr * IW
            kcol = kbase + lax.broadcasted_iota(jnp.int32, (IW, 1), 0)
            ccol = lax.shift_right_logical(kcol, 5)
            rcol = kcol - ccol * CAP
            eq = (cls_row == ccol).astype(jnp.float32)
            sel = eq * (ranks == rcol.astype(jnp.float32)).astype(jnp.float32)
            xpos = lax.dot_general(
                pos_row, sel, (((1,), (1,)), ((), ())),
                preferred_element_type=jnp.float32,
                precision=lax.Precision.HIGHEST)
            cnt = lax.dot_general(
                ones_row, eq, (((1,), (1,)), ((), ())),
                preferred_element_type=jnp.float32,
                precision=lax.Precision.HIGHEST)
            krow = kbase + lax.broadcasted_iota(jnp.int32, (1, IW), 1)
            crow = lax.shift_right_logical(krow, 5)
            rrow = krow - crow * CAP
            cnt_i = cnt.astype(jnp.int32)
            midx = BATCH + crow * CAP + jnp.clip(rrow - cnt_i, 0, CAP - 1)
            out_ref[rr:rr + 1, :] = jnp.where(rrow < cnt_i,
                                              xpos.astype(jnp.int32), midx)

    return pl.pallas_call(
        body,
        grid=(IR // 8,),
        in_specs=[
            pl.BlockSpec((8, BATCH), lambda i: (0, 0)),
            pl.BlockSpec((8, BATCH), lambda i: (0, 0)),
        ],
        out_specs=pl.BlockSpec((8, IW), lambda i: (i, 0)),
        out_shape=jax.ShapeDtypeStruct((IR, IW), jnp.int32),
    )(classes_b, ranks_b)


def _sc_gather(combined, cidx):
    info = plsc.get_sparse_core_info()
    nc, ns = info.num_cores, info.num_subcores
    nw = nc * ns
    rows_per_w = ROWS // nw
    T = 32
    tiles = rows_per_w // T
    NB = 2

    mesh = plsc.VectorSubcoreMesh(core_axis_name="c", subcore_axis_name="s")

    @functools.partial(
        pl.kernel,
        mesh=mesh,
        out_type=jax.ShapeDtypeStruct((ROWS, DIM), jnp.float32),
        scratch_types=[
            pltpu.VMEM((rows_per_w,), jnp.int32),
            pltpu.VMEM((NB, T, DIM), jnp.float32),
            pltpu.SemaphoreType.DMA,
            pltpu.SemaphoreType.DMA,
        ],
    )
    def sc_kernel(src_hbm, cidx_hbm, out_hbm, idx_v, buf_v, sem0, sem1):
        wid = lax.axis_index("s") * nc + lax.axis_index("c")
        base = wid * rows_per_w
        sems = (sem0, sem1)
        pltpu.sync_copy(cidx_hbm.at[pl.ds(base, rows_per_w)], idx_v)

        def gather(t, b):
            return pltpu.async_copy(
                src_hbm.at[idx_v.at[pl.ds(t * T, T)]], buf_v.at[b], sems[b])

        cps = [gather(0, 0), gather(1, 1)]
        for t in range(tiles):
            b = t % NB
            cps[b].wait()
            pltpu.sync_copy(buf_v.at[b], out_hbm.at[pl.ds(base + t * T, T)])
            if t + NB < tiles:
                cps[b] = gather(t + NB, b)

    return sc_kernel(combined, cidx)


def _tc_update(new_ins, fixed_ins, classes_b):
    br = 1024
    grid = (ROWS // br,)
    w_new = float(K_MOM)
    w_fix = float(1.0 - K_MOM)

    def body(ins_ref, fix_ref, cls_ref, out_ref):
        ins = ins_ref[...]
        fix = fix_ref[...]

        pid = pl.program_id(0)
        rid = pid * br + lax.broadcasted_iota(jnp.int32, (br, 1), 0)
        cls_of = lax.shift_right_logical(rid, 5)
        cls_all = cls_ref[0:1, :]
        eq = (cls_all == cls_of).astype(jnp.int32)
        ncnt = jnp.sum(eq, axis=1, keepdims=True)

        t = lax.dot_general(
            ins, fix, (((1,), (1,)), ((), ())),
            preferred_element_type=jnp.float32)
        mn = jnp.min(t, axis=1, keepdims=True)
        col = lax.broadcasted_iota(jnp.int32, (br, M_FIXED), 1)
        idx = jnp.min(jnp.where(t == mn, col, M_FIXED), axis=1,
                      keepdims=True)
        onehot = (col == idx).astype(jnp.float32)
        sel = lax.dot_general(
            onehot, fix, (((1,), (0,)), ((), ())),
            preferred_element_type=jnp.float32)
        upd = w_new * ins + w_fix * sel
        out_ref[...] = jnp.where(ncnt > 0, upd, ins)

    return pl.pallas_call(
        body,
        grid=grid,
        in_specs=[
            pl.BlockSpec((br, DIM), lambda i: (i, 0)),
            pl.BlockSpec((M_FIXED, DIM), lambda i: (0, 0)),
            pl.BlockSpec((8, BATCH), lambda i: (0, 0)),
        ],
        out_specs=pl.BlockSpec((br, DIM), lambda i: (i, 0)),
        out_shape=jax.ShapeDtypeStruct((ROWS, DIM), jnp.float32),
    )(new_ins, fixed_ins, classes_b)


def kernel(x, classes, memory, fixed_ins):
    memflat = memory.reshape(ROWS, DIM)
    combined = jnp.concatenate([x, memflat], axis=0)
    classes_b = jnp.broadcast_to(classes[None, :], (8, BATCH))
    classes_col = jnp.broadcast_to(classes[:, None], (BATCH, 128))
    ranks_b = _tc_ranks(classes_b, classes_col)
    cidx2d = _tc_indices(classes_b, ranks_b)
    new_ins = _sc_gather(combined, cidx2d.reshape(ROWS))
    out = _tc_update(new_ins, fixed_ins, classes_b)
    return out.reshape(NUM_CLASSES, CAP, DIM)

# --- scband reference (transcript-rebuilt; emitter-appended) ---
"""Pipeline reference for scband-memory-bank-50319836840106 (READ-ONLY COPY).

The authoritative reference and input builder live on the scoring server;
editing this copy changes nothing except your own understanding.
"""

import jax, jax.numpy as jnp
import numpy as np

NUM_CLASSES = 256
CAP = 32
DIM = 1024
M_FIXED = 1024
BATCH = 1024
K_MOM = 0.99


def setup_inputs(seed: int = 0) -> dict:
    key = jax.random.key(seed)
    k1, k2, k3, k4 = jax.random.split(key, 4)
    x = jax.random.normal(k1, (BATCH, DIM), dtype=jnp.float32)
    classes = jax.random.randint(k2, (BATCH,), 0, NUM_CLASSES, dtype=jnp.int32)
    # learned/internal state: memory bank (torch.randn in __init__)
    memory = jax.random.normal(k3, (NUM_CLASSES, CAP, DIM), dtype=jnp.float32)
    # fixed_memory dict values concatenated -> single anchor matrix
    fixed_ins = jax.random.normal(k4, (M_FIXED, DIM), dtype=jnp.float32)
    return {"x": x, "classes": classes, "memory": memory, "fixed_ins": fixed_ins}


def reference(x, classes, memory, fixed_ins):
    # Faithful translation of memory_bank.forward -> update4, returning updated memory.
    batch = classes.shape[0]
    num_classes = memory.shape[0]
    cap = memory.shape[1]
    positions = jnp.arange(batch)
    row = jnp.arange(cap)

    def update_cls(cls, candidates):
        mask = classes == cls
        n = jnp.sum(mask.astype(jnp.int32))
        # stable argsort: indices of this class first, in increasing order
        order = jnp.argsort(jnp.where(mask, positions, batch))
        from_x = x[order[row]]
        from_mem = candidates[jnp.clip(row - n, 0, cap - 1)]
        new_ins = jnp.where((row < n)[:, None], from_x, from_mem)  # [CAP, DIM]
        t = jnp.einsum('qk,mk->qm', new_ins, fixed_ins)  # [CAP, M_FIXED]
        # sort ascending, take the least-similar anchor per row
        index = jnp.argsort(t, axis=1)[:, :1].squeeze(-1)  # [CAP]
        updated = K_MOM * new_ins + (1.0 - K_MOM) * fixed_ins[index]
        return updated, n > 0

    cls_ids = jnp.arange(num_classes, dtype=classes.dtype)
    updated_all, present = jax.vmap(update_cls)(cls_ids, memory)
    mem = jnp.where(present[:, None, None], updated_all, memory)
    return mem

if __name__ == "__main__":
    import jax
    _d = setup_inputs()
    print(jax.jit(kernel)(*tuple(_d.values())))

</pallas_src>

<mosaic_0001>
#map = affine_map<(d0, d1) -> (0, 0)>
#map1 = affine_map<(d0, d1) -> (0)>
module attributes {stable_mosaic.version = 14 : i64} {
  func.func @sc_kernel(%arg0: i32, %arg1: i32, %arg2: memref<9216x1024xf32, #tpu.memory_space<hbm>>, %arg3: memref<8192xi32, #tpu.memory_space<hbm>>, %arg4: memref<8192x1024xf32, #tpu.memory_space<hbm>>, %arg5: memref<256xi32, #tpu.memory_space<vmem>>, %arg6: memref<2x32x1024xf32, #tpu.memory_space<vmem>>, %arg7: memref<!tpu.dma_semaphore, #tpu.memory_space<semaphore_mem>>, %arg8: memref<!tpu.dma_semaphore, #tpu.memory_space<semaphore_mem>>) attributes {dimension_semantics = [#tpu.dimension_semantics<core_parallel>, #tpu.dimension_semantics<subcore_parallel>], iteration_bounds = array<i64: 2, 16>, scalar_prefetch = 0 : i64, scratch_operands = 4 : i64, tpu.core_type = #tpu.core_type<sc_vector_subcore>, window_params = [{transform_indices = #map}, {transform_indices = #map1}, {transform_indices = #map}]} {
    %mul3A = arith.constant 2 : i32
    %mul3A_0 = arith.muli %arg1, %mul3A : i32
    %add3A = arith.addi %mul3A_0, %arg0 : i32
    %mul3A_1 = arith.constant 256 : i32
    %mul3A_2 = arith.muli %add3A, %mul3A_1 : i32
    "tpu.region"() ({
      %run_scoped3A_184 = tpu.sem_alloc : memref<!tpu.dma_semaphore, #tpu.memory_space<semaphore_mem>>
      %dma_start3A_185 = tpu.memref_slice %arg3[%mul3A_2] : memref<8192xi32, #tpu.memory_space<hbm>> -> memref<256xi32, #tpu.memory_space<hbm>>
      %dma_start3A_186 = tpu.memref_slice %arg3[%mul3A_2] : memref<8192xi32, #tpu.memory_space<hbm>> -> memref<256xi32, #tpu.memory_space<hbm>>
      tpu.enqueue_dma source(%dma_start3A_186 : memref<256xi32, #tpu.memory_space<hbm>>) target(%arg5 : memref<256xi32, #tpu.memory_space<vmem>>) target_semaphore(%run_scoped3A_184 : memref<!tpu.dma_semaphore, #tpu.memory_space<semaphore_mem>>)
      %dma_wait3A_187 = tpu.memref_slice %arg3[%mul3A_2] : memref<8192xi32, #tpu.memory_space<hbm>> -> memref<256xi32, #tpu.memory_space<hbm>>
      %dma_wait3A_188 = tpu.memref_slice %arg3[%mul3A_2] : memref<8192xi32, #tpu.memory_space<hbm>> -> memref<256xi32, #tpu.memory_space<hbm>>
      tpu.wait_dma2 semaphore(%run_scoped3A_184 : memref<!tpu.dma_semaphore, #tpu.memory_space<semaphore_mem>>) src(%dma_wait3A_188 : memref<256xi32, #tpu.memory_space<hbm>>) dst(%arg5 : memref<256xi32, #tpu.memory_space<vmem>>)
      tpu.yield
    }) : () -> ()
    %dma_start3A = arith.constant 0 : i32
    %dma_start3A_3 = arith.constant 0 : i32
    %dma_start3A_4 = arith.constant 0 : i32
    %dma_start3A_5 = tpu.memref_slice %arg6[%dma_start3A, %dma_start3A_3, %dma_start3A_4] : memref<2x32x1024xf32, #tpu.memory_space<vmem>> -> memref<1x32x1024xf32, #tpu.memory_space<vmem>>
    %dma_start3A_6 = tpu.memref_squeeze %dma_start3A_5 : memref<1x32x1024xf32, #tpu.memory_space<vmem>> -> memref<32x1024xf32, #tpu.memory_space<vmem>>
    %dma_start3A_7 = arith.constant 0 : i32
    %dma_start3A_8 = tpu.memref_slice %arg5[%dma_start3A_7] : memref<256xi32, #tpu.memory_space<vmem>> -> memref<32xi32, #tpu.memory_space<vmem>>
    %dma_start3A_9 = arith.constant 0 : i32
    %dma_start3A_10 = arith.constant 0 : i32
    %dma_start3A_11 = tpu.memref_slice %arg2[%dma_start3A_9, %dma_start3A_10] : memref<9216x1024xf32, #tpu.memory_space<hbm>> -> memref<9216x1024xf32, #tpu.memory_space<hbm>>
    tpu.enqueue_indirect_dma source(%dma_start3A_11 : memref<9216x1024xf32, #tpu.memory_space<hbm>>) target(%dma_start3A_6 : memref<32x1024xf32, #tpu.memory_space<vmem>>) offsets(%dma_start3A_8 : memref<32xi32, #tpu.memory_space<vmem>>) semaphore(%arg7 : memref<!tpu.dma_semaphore, #tpu.memory_space<semaphore_mem>>)
    %dma_start3A_12 = arith.constant 1 : i32
    %dma_start3A_13 = arith.constant 0 : i32
    %dma_start3A_14 = arith.constant 0 : i32
    %dma_start3A_15 = tpu.memref_slice %arg6[%dma_start3A_12, %dma_start3A_13, %dma_start3A_14] : memref<2x32x1024xf32, #tpu.memory_space<vmem>> -> memref<1x32x1024xf32, #tpu.memory_space<vmem>>
    %dma_start3A_16 = tpu.memref_squeeze %dma_start3A_15 : memref<1x32x1024xf32, #tpu.memory_space<vmem>> -> memref<32x1024xf32, #tpu.memory_space<vmem>>
    %dma_start3A_17 = arith.constant 32 : i32
    %dma_start3A_18 = tpu.memref_slice %arg5[%dma_start3A_17] : memref<256xi32, #tpu.memory_space<vmem>> -> memref<32xi32, #tpu.memory_space<vmem>>
    %dma_start3A_19 = arith.constant 0 : i32
    %dma_start3A_20 = arith.constant 0 : i32
    %dma_start3A_21 = tpu.memref_slice %arg2[%dma_start3A_19, %dma_start3A_20] : memref<9216x1024xf32, #tpu.memory_space<hbm>> -> memref<9216x1024xf32, #tpu.memory_space<hbm>>
    tpu.enqueue_indirect_dma source(%dma_start3A_21 : memref<9216x1024xf32, #tpu.memory_space<hbm>>) target(%dma_start3A_16 : memref<32x1024xf32, #tpu.memory_space<vmem>>) offsets(%dma_start3A_18 : memref<32xi32, #tpu.memory_space<vmem>>) semaphore(%arg8 : memref<!tpu.dma_semaphore, #tpu.memory_space<semaphore_mem>>)
    %dma_wait3A = arith.constant 0 : i32
    %dma_wait3A_22 = arith.constant 0 : i32
    %dma_wait3A_23 = arith.constant 0 : i32
    %dma_wait3A_24 = tpu.memref_slice %arg6[%dma_wait3A, %dma_wait3A_22, %dma_wait3A_23] : memref<2x32x1024xf32, #tpu.memory_space<vmem>> -> memref<1x32x1024xf32, #tpu.memory_space<vmem>>
    %dma_wait3A_25 = tpu.memref_squeeze %dma_wait3A_24 : memref<1x32x1024xf32, #tpu.memory_space<vmem>> -> memref<32x1024xf32, #tpu.memory_space<vmem>>
    %dma_wait3A_26 = arith.constant 0 : i32
    %dma_wait3A_27 = tpu.memref_slice %arg5[%dma_wait3A_26] : memref<256xi32, #tpu.memory_space<vmem>> -> memref<32xi32, #tpu.memory_space<vmem>>
    %dma_wait3A_28 = arith.constant 0 : i32
    %dma_wait3A_29 = arith.constant 0 : i32
    %dma_wait3A_30 = tpu.memref_slice %arg2[%dma_wait3A_28, %dma_wait3A_29] : memref<9216x1024xf32, #tpu.memory_space<hbm>> -> memref<9216x1024xf32, #tpu.memory_space<hbm>>
    tpu.wait_indirect_dma semaphore(%arg7 : memref<!tpu.dma_semaphore, #tpu.memory_space<semaphore_mem>>) src(%dma_wait3A_30 : memref<9216x1024xf32, #tpu.memory_space<hbm>>) dst(%dma_wait3A_25 : memref<32x1024xf32, #tpu.memory_space<vmem>>)
    %add3A_31 = arith.constant 0 : i32
    %add3A_32 = arith.addi %mul3A_2, %add3A_31 : i32
    %run_scoped3A = arith.constant 0 : i32
    "tpu.region"() ({
      %run_scoped3A_184 = tpu.sem_alloc : memref<!tpu.dma_semaphore, #tpu.memory_space<semaphore_mem>>
      %dma_start3A_185 = arith.constant 0 : i32
      %dma_start3A_186 = arith.constant 0 : i32
      %dma_start3A_187 = tpu.memref_slice %arg6[%run_scoped3A, %dma_start3A_185, %dma_start3A_186] : memref<2x32x1024xf32, #tpu.memory_space<vmem>> -> memref<1x32x1024xf32, #tpu.memory_space<vmem>>
      %dma_start3A_188 = tpu.memref_squeeze %dma_start3A_187 : memref<1x32x1024xf32, #tpu.memory_space<vmem>> -> memref<32x1024xf32, #tpu.memory_space<vmem>>
      %dma_start3A_189 = arith.constant 0 : i32
      %dma_start3A_190 = tpu.memref_slice %arg4[%add3A_32, %dma_start3A_189] : memref<8192x1024xf32, #tpu.memory_space<hbm>> -> memref<32x1024xf32, #tpu.memory_space<hbm>>
      %dma_start3A_191 = arith.constant 0 : i32
      %dma_start3A_192 = tpu.memref_slice %arg4[%add3A_32, %dma_start3A_191] : memref<8192x1024xf32, #tpu.memory_space<hbm>> -> memref<32x1024xf32, #tpu.memory_space<hbm>>
      %dma_start3A_193 = arith.constant 0 : i32
      %dma_start3A_194 = arith.constant 0 : i32
      %dma_start3A_195 = tpu.memref_slice %arg6[%run_scoped3A, %dma_start3A_193, %dma_start3A_194] : memref<2x32x1024xf32, #tpu.memory_space<vmem>> -> memref<1x32x1024xf32, #tpu.memory_space<vmem>>
      %dma_start3A_196 = tpu.memref_squeeze %dma_start3A_195 : memref<1x32x1024xf32, #tpu.memory_space<vmem>> -> memref<32x1024xf32, #tpu.memory_space<vmem>>
      tpu.enqueue_dma source(%dma_start3A_196 : memref<32x1024xf32, #tpu.memory_space<vmem>>) target(%dma_start3A_192 : memref<32x1024xf32, #tpu.memory_space<hbm>>) target_semaphore(%run_scoped3A_184 : memref<!tpu.dma_semaphore, #tpu.memory_space<semaphore_mem>>)
      %dma_wait3A_197 = arith.constant 0 : i32
      %dma_wait3A_198 = arith.constant 0 : i32
      %dma_wait3A_199 = tpu.memref_slice %arg6[%run_scoped3A, %dma_wait3A_197, %dma_wait3A_198] : memref<2x32x1024xf32, #tpu.memory_space<vmem>> -> memref<1x32x1024xf32, #tpu.memory_space<vmem>>
      %dma_wait3A_200 = tpu.memref_squeeze %dma_wait3A_199 : memref<1x32x1024xf32, #tpu.memory_space<vmem>> -> memref<32x1024xf32, #tpu.memory_space<vmem>>
      %dma_wait3A_201 = arith.constant 0 : i32
      %dma_wait3A_202 = tpu.memref_slice %arg4[%add3A_32, %dma_wait3A_201] : memref<8192x1024xf32, #tpu.memory_space<hbm>> -> memref<32x1024xf32, #tpu.memory_space<hbm>>
      %dma_wait3A_203 = arith.constant 0 : i32
      %dma_wait3A_204 = tpu.memref_slice %arg4[%add3A_32, %dma_wait3A_203] : memref<8192x1024xf32, #tpu.memory_space<hbm>> -> memref<32x1024xf32, #tpu.memory_space<hbm>>
      %dma_wait3A_205 = arith.constant 0 : i32
      %dma_wait3A_206 = arith.constant 0 : i32
      %dma_wait3A_207 = tpu.memref_slice %arg6[%run_scoped3A, %dma_wait3A_205, %dma_wait3A_206] : memref<2x32x1024xf32, #tpu.memory_space<vmem>> -> memref<1x32x1024xf32, #tpu.memory_space<vmem>>
      %dma_wait3A_208 = tpu.memref_squeeze %dma_wait3A_207 : memref<1x32x1024xf32, #tpu.memory_space<vmem>> -> memref<32x1024xf32, #tpu.memory_space<vmem>>
      tpu.wait_dma2 semaphore(%run_scoped3A_184 : memref<!tpu.dma_semaphore, #tpu.memory_space<semaphore_mem>>) src(%dma_wait3A_208 : memref<32x1024xf32, #tpu.memory_space<vmem>>) dst(%dma_wait3A_204 : memref<32x1024xf32, #tpu.memory_space<hbm>>)
      tpu.yield
    }) : () -> ()
    %dma_start3A_33 = arith.constant 0 : i32
    %dma_start3A_34 = arith.constant 0 : i32
    %dma_start3A_35 = arith.constant 0 : i32
    %dma_start3A_36 = tpu.memref_slice %arg6[%dma_start3A_33, %dma_start3A_34, %dma_start3A_35] : memref<2x32x1024xf32, #tpu.memory_space<vmem>> -> memref<1x32x1024xf32, #tpu.memory_space<vmem>>
    %dma_start3A_37 = tpu.memref_squeeze %dma_start3A_36 : memref<1x32x1024xf32, #tpu.memory_space<vmem>> -> memref<32x1024xf32, #tpu.memory_space<vmem>>
    %dma_start3A_38 = arith.constant 64 : i32
    %dma_start3A_39 = tpu.memref_slice %arg5[%dma_start3A_38] : memref<256xi32, #tpu.memory_space<vmem>> -> memref<32xi32, #tpu.memory_space<vmem>>
    %dma_start3A_40 = arith.constant 0 : i32
    %dma_start3A_41 = arith.constant 0 : i32
    %dma_start3A_42 = tpu.memref_slice %arg2[%dma_start3A_40, %dma_start3A_41] : memref<9216x1024xf32, #tpu.memory_space<hbm>> -> memref<9216x1024xf32, #tpu.memory_space<hbm>>
    tpu.enqueue_indirect_dma source(%dma_start3A_42 : memref<9216x1024xf32, #tpu.memory_space<hbm>>) target(%dma_start3A_37 : memref<32x1024xf32, #tpu.memory_space<vmem>>) offsets(%dma_start3A_39 : memref<32xi32, #tpu.memory_space<vmem>>) semaphore(%arg7 : memref<!tpu.dma_semaphore, #tpu.memory_space<semaphore_mem>>)
    %dma_wait3A_43 = arith.constant 1 : i32
    %dma_wait3A_44 = arith.constant 0 : i32
    %dma_wait3A_45 = arith.constant 0 : i32
    %dma_wait3A_46 = tpu.memref_slice %arg6[%dma_wait3A_43, %dma_wait3A_44, %dma_wait3A_45] : memref<2x32x1024xf32, #tpu.memory_space<vmem>> -> memref<1x32x1024xf32, #tpu.memory_space<vmem>>
    %dma_wait3A_47 = tpu.memref_squeeze %dma_wait3A_46 : memref<1x32x1024xf32, #tpu.memory_space<vmem>> -> memref<32x1024xf32, #tpu.memory_space<vmem>>
    %dma_wait3A_48 = arith.constant 32 : i32
    %dma_wait3A_49 = tpu.memref_slice %arg5[%dma_wait3A_48] : memref<256xi32, #tpu.memory_space<vmem>> -> memref<32xi32, #tpu.memory_space<vmem>>
    %dma_wait3A_50 = arith.constant 0 : i32
    %dma_wait3A_51 = arith.constant 0 : i32
    %dma_wait3A_52 = tpu.memref_slice %arg2[%dma_wait3A_50, %dma_wait3A_51] : memref<9216x1024xf32, #tpu.memory_space<hbm>> -> memref<9216x1024xf32, #tpu.memory_space<hbm>>
    tpu.wait_indirect_dma semaphore(%arg8 : memref<!tpu.dma_semaphore, #tpu.memory_space<semaphore_mem>>) src(%dma_wait3A_52 : memref<9216x1024xf32, #tpu.memory_space<hbm>>) dst(%dma_wait3A_47 : memref<32x1024xf32, #tpu.memory_space<vmem>>)
    %add3A_53 = arith.constant 32 : i32
    %add3A_54 = arith.addi %mul3A_2, %add3A_53 : i32
    %run_scoped3A_55 = arith.constant 1 : i32
    "tpu.region"() ({
      %run_scoped3A_184 = tpu.sem_alloc : memref<!tpu.dma_semaphore, #tpu.memory_space<semaphore_mem>>
      %dma_start3A_185 = arith.constant 0 : i32
      %dma_start3A_186 = arith.constant 0 : i32
      %dma_start3A_187 = tpu.memref_slice %arg6[%run_scoped3A_55, %dma_start3A_185, %dma_start3A_186] : memref<2x32x1024xf32, #tpu.memory_space<vmem>> -> memref<1x32x1024xf32, #tpu.memory_space<vmem>>
      %dma_start3A_188 = tpu.memref_squeeze %dma_start3A_187 : memref<1x32x1024xf32, #tpu.memory_space<vmem>> -> memref<32x1024xf32, #tpu.memory_space<vmem>>
      %dma_start3A_189 = arith.constant 0 : i32
      %dma_start3A_190 = tpu.memref_slice %arg4[%add3A_54, %dma_start3A_189] : memref<8192x1024xf32, #tpu.memory_space<hbm>> -> memref<32x1024xf32, #tpu.memory_space<hbm>>
      %dma_start3A_191 = arith.constant 0 : i32
      %dma_start3A_192 = tpu.memref_slice %arg4[%add3A_54, %dma_start3A_191] : memref<8192x1024xf32, #tpu.memory_space<hbm>> -> memref<32x1024xf32, #tpu.memory_space<hbm>>
      %dma_start3A_193 = arith.constant 0 : i32
      %dma_start3A_194 = arith.constant 0 : i32
      %dma_start3A_195 = tpu.memref_slice %arg6[%run_scoped3A_55, %dma_start3A_193, %dma_start3A_194] : memref<2x32x1024xf32, #tpu.memory_space<vmem>> -> memref<1x32x1024xf32, #tpu.memory_space<vmem>>
      %dma_start3A_196 = tpu.memref_squeeze %dma_start3A_195 : memref<1x32x1024xf32, #tpu.memory_space<vmem>> -> memref<32x1024xf32, #tpu.memory_space<vmem>>
      tpu.enqueue_dma source(%dma_start3A_196 : memref<32x1024xf32, #tpu.memory_space<vmem>>) target(%dma_start3A_192 : memref<32x1024xf32, #tpu.memory_space<hbm>>) target_semaphore(%run_scoped3A_184 : memref<!tpu.dma_semaphore, #tpu.memory_space<semaphore_mem>>)
      %dma_wait3A_197 = arith.constant 0 : i32
      %dma_wait3A_198 = arith.constant 0 : i32
      %dma_wait3A_199 = tpu.memref_slice %arg6[%run_scoped3A_55, %dma_wait3A_197, %dma_wait3A_198] : memref<2x32x1024xf32, #tpu.memory_space<vmem>> -> memref<1x32x1024xf32, #tpu.memory_space<vmem>>
      %dma_wait3A_200 = tpu.memref_squeeze %dma_wait3A_199 : memref<1x32x1024xf32, #tpu.memory_space<vmem>> -> memref<32x1024xf32, #tpu.memory_space<vmem>>
      %dma_wait3A_201 = arith.constant 0 : i32
      %dma_wait3A_202 = tpu.memref_slice %arg4[%add3A_54, %dma_wait3A_201] : memref<8192x1024xf32, #tpu.memory_space<hbm>> -> memref<32x1024xf32, #tpu.memory_space<hbm>>
      %dma_wait3A_203 = arith.constant 0 : i32
      %dma_wait3A_204 = tpu.memref_slice %arg4[%add3A_54, %dma_wait3A_203] : memref<8192x1024xf32, #tpu.memory_space<hbm>> -> memref<32x1024xf32, #tpu.memory_space<hbm>>
      %dma_wait3A_205 = arith.constant 0 : i32
      %dma_wait3A_206 = arith.constant 0 : i32
      %dma_wait3A_207 = tpu.memref_slice %arg6[%run_scoped3A_55, %dma_wait3A_205, %dma_wait3A_206] : memref<2x32x1024xf32, #tpu.memory_space<vmem>> -> memref<1x32x1024xf32, #tpu.memory_space<vmem>>
      %dma_wait3A_208 = tpu.memref_squeeze %dma_wait3A_207 : memref<1x32x1024xf32, #tpu.memory_space<vmem>> -> memref<32x1024xf32, #tpu.memory_space<vmem>>
      tpu.wait_dma2 semaphore(%run_scoped3A_184 : memref<!tpu.dma_semaphore, #tpu.memory_space<semaphore_mem>>) src(%dma_wait3A_208 : memref<32x1024xf32, #tpu.memory_space<vmem>>) dst(%dma_wait3A_204 : memref<32x1024xf32, #tpu.memory_space<hbm>>)
      tpu.yield
    }) : () -> ()
    %dma_start3A_56 = arith.constant 1 : i32
    %dma_start3A_57 = arith.constant 0 : i32
    %dma_start3A_58 = arith.constant 0 : i32
    %dma_start3A_59 = tpu.memref_slice %arg6[%dma_start3A_56, %dma_start3A_57, %dma_start3A_58] : memref<2x32x1024xf32, #tpu.memory_space<vmem>> -> memref<1x32x1024xf32, #tpu.memory_space<vmem>>
    %dma_start3A_60 = tpu.memref_squeeze %dma_start3A_59 : memref<1x32x1024xf32, #tpu.memory_space<vmem>> -> memref<32x1024xf32, #tpu.memory_space<vmem>>
    %dma_start3A_61 = arith.constant 96 : i32
    %dma_start3A_62 = tpu.memref_slice %arg5[%dma_start3A_61] : memref<256xi32, #tpu.memory_space<vmem>> -> memref<32xi32, #tpu.memory_space<vmem>>
    %dma_start3A_63 = arith.constant 0 : i32
    %dma_start3A_64 = arith.constant 0 : i32
    %dma_start3A_65 = tpu.memref_slice %arg2[%dma_start3A_63, %dma_start3A_64] : memref<9216x1024xf32, #tpu.memory_space<hbm>> -> memref<9216x1024xf32, #tpu.memory_space<hbm>>
    tpu.enqueue_indirect_dma source(%dma_start3A_65 : memref<9216x1024xf32, #tpu.memory_space<hbm>>) target(%dma_start3A_60 : memref<32x1024xf32, #tpu.memory_space<vmem>>) offsets(%dma_start3A_62 : memref<32xi32, #tpu.memory_space<vmem>>) semaphore(%arg8 : memref<!tpu.dma_semaphore, #tpu.memory_space<semaphore_mem>>)
    %dma_wait3A_66 = arith.constant 0 : i32
    %dma_wait3A_67 = arith.constant 0 : i32
    %dma_wait3A_68 = arith.constant 0 : i32
    %dma_wait3A_69 = tpu.memref_slice %arg6[%dma_wait3A_66, %dma_wait3A_67, %dma_wait3A_68] : memref<2x32x1024xf32, #tpu.memory_space<vmem>> -> memref<1x32x1024xf32, #tpu.memory_space<vmem>>
    %dma_wait3A_70 = tpu.memref_squeeze %dma_wait3A_69 : memref<1x32x1024xf32, #tpu.memory_space<vmem>> -> memref<32x1024xf32, #tpu.memory_space<vmem>>
    %dma_wait3A_71 = arith.constant 64 : i32
    %dma_wait3A_72 = tpu.memref_slice %arg5[%dma_wait3A_71] : memref<256xi32, #tpu.memory_space<vmem>> -> memref<32xi32, #tpu.memory_space<vmem>>
    %dma_wait3A_73 = arith.constant 0 : i32
    %dma_wait3A_74 = arith.constant 0 : i32
    %dma_wait3A_75 = tpu.memref_slice %arg2[%dma_wait3A_73, %dma_wait3A_74] : memref<9216x1024xf32, #tpu.memory_space<hbm>> -> memref<9216x1024xf32, #tpu.memory_space<hbm>>
    tpu.wait_indirect_dma semaphore(%arg7 : memref<!tpu.dma_semaphore, #tpu.memory_space<semaphore_mem>>) src(%dma_wait3A_75 : memref<9216x1024xf32, #tpu.memory_space<hbm>>) dst(%dma_wait3A_70 : memref<32x1024xf32, #tpu.memory_space<vmem>>)
    %add3A_76 = arith.constant 64 : i32
    %add3A_77 = arith.addi %mul3A_2, %add3A_76 : i32
    %run_scoped3A_78 = arith.constant 0 : i32
    "tpu.region"() ({
      %run_scoped3A_184 = tpu.sem_alloc : memref<!tpu.dma_semaphore, #tpu.memory_space<semaphore_mem>>
      %dma_start3A_185 = arith.constant 0 : i32
      %dma_start3A_186 = arith.constant 0 : i32
      %dma_start3A_187 = tpu.memref_slice %arg6[%run_scoped3A_78, %dma_start3A_185, %dma_start3A_186] : memref<2x32x1024xf32, #tpu.memory_space<vmem>> -> memref<1x32x1024xf32, #tpu.memory_space<vmem>>
      %dma_start3A_188 = tpu.memref_squeeze %dma_start3A_187 : memref<1x32x1024xf32, #tpu.memory_space<vmem>> -> memref<32x1024xf32, #tpu.memory_space<vmem>>
      %dma_start3A_189 = arith.constant 0 : i32
      %dma_start3A_190 = tpu.memref_slice %arg4[%add3A_77, %dma_start3A_189] : memref<8192x1024xf32, #tpu.memory_space<hbm>> -> memref<32x1024xf32, #tpu.memory_space<hbm>>
      %dma_start3A_191 = arith.constant 0 : i32
      %dma_start3A_192 = tpu.memref_slice %arg4[%add3A_77, %dma_start3A_191] : memref<8192x1024xf32, #tpu.memory_space<hbm>> -> memref<32x1024xf32, #tpu.memory_space<hbm>>
      %dma_start3A_193 = arith.constant 0 : i32
      %dma_start3A_194 = arith.constant 0 : i32
      %dma_start3A_195 = tpu.memref_slice %arg6[%run_scoped3A_78, %dma_start3A_193, %dma_start3A_194] : memref<2x32x1024xf32, #tpu.memory_space<vmem>> -> memref<1x32x1024xf32, #tpu.memory_space<vmem>>
      %dma_start3A_196 = tpu.memref_squeeze %dma_start3A_195 : memref<1x32x1024xf32, #tpu.memory_space<vmem>> -> memref<32x1024xf32, #tpu.memory_space<vmem>>
      tpu.enqueue_dma source(%dma_start3A_196 : memref<32x1024xf32, #tpu.memory_space<vmem>>) target(%dma_start3A_192 : memref<32x1024xf32, #tpu.memory_space<hbm>>) target_semaphore(%run_scoped3A_184 : memref<!tpu.dma_semaphore, #tpu.memory_space<semaphore_mem>>)
      %dma_wait3A_197 = arith.constant 0 : i32
      %dma_wait3A_198 = arith.constant 0 : i32
      %dma_wait3A_199 = tpu.memref_slice %arg6[%run_scoped3A_78, %dma_wait3A_197, %dma_wait3A_198] : memref<2x32x1024xf32, #tpu.memory_space<vmem>> -> memref<1x32x1024xf32, #tpu.memory_space<vmem>>
      %dma_wait3A_200 = tpu.memref_squeeze %dma_wait3A_199 : memref<1x32x1024xf32, #tpu.memory_space<vmem>> -> memref<32x1024xf32, #tpu.memory_space<vmem>>
      %dma_wait3A_201 = arith.constant 0 : i32
      %dma_wait3A_202 = tpu.memref_slice %arg4[%add3A_77, %dma_wait3A_201] : memref<8192x1024xf32, #tpu.memory_space<hbm>> -> memref<32x1024xf32, #tpu.memory_space<hbm>>
      %dma_wait3A_203 = arith.constant 0 : i32
      %dma_wait3A_204 = tpu.memref_slice %arg4[%add3A_77, %dma_wait3A_203] : memref<8192x1024xf32, #tpu.memory_space<hbm>> -> memref<32x1024xf32, #tpu.memory_space<hbm>>
      %dma_wait3A_205 = arith.constant 0 : i32
      %dma_wait3A_206 = arith.constant 0 : i32
      %dma_wait3A_207 = tpu.memref_slice %arg6[%run_scoped3A_78, %dma_wait3A_205, %dma_wait3A_206] : memref<2x32x1024xf32, #tpu.memory_space<vmem>> -> memref<1x32x1024xf32, #tpu.memory_space<vmem>>
      %dma_wait3A_208 = tpu.memref_squeeze %dma_wait3A_207 : memref<1x32x1024xf32, #tpu.memory_space<vmem>> -> memref<32x1024xf32, #tpu.memory_space<vmem>>
      tpu.wait_dma2 semaphore(%run_scoped3A_184 : memref<!tpu.dma_semaphore, #tpu.memory_space<semaphore_mem>>) src(%dma_wait3A_208 : memref<32x1024xf32, #tpu.memory_space<vmem>>) dst(%dma_wait3A_204 : memref<32x1024xf32, #tpu.memory_space<hbm>>)
      tpu.yield
    }) : () -> ()
    %dma_start3A_79 = arith.constant 0 : i32
    %dma_start3A_80 = arith.constant 0 : i32
    %dma_start3A_81 = arith.constant 0 : i32
    %dma_start3A_82 = tpu.memref_slice %arg6[%dma_start3A_79, %dma_start3A_80, %dma_start3A_81] : memref<2x32x1024xf32, #tpu.memory_space<vmem>> -> memref<1x32x1024xf32, #tpu.memory_space<vmem>>
    %dma_start3A_83 = tpu.memref_squeeze %dma_start3A_82 : memref<1x32x1024xf32, #tpu.memory_space<vmem>> -> memref<32x1024xf32, #tpu.memory_space<vmem>>
    %dma_start3A_84 = arith.constant 128 : i32
    %dma_start3A_85 = tpu.memref_slice %arg5[%dma_start3A_84] : memref<256xi32, #tpu.memory_space<vmem>> -> memref<32xi32, #tpu.memory_space<vmem>>
    %dma_start3A_86 = arith.constant 0 : i32
    %dma_start3A_87 = arith.constant 0 : i32
    %dma_start3A_88 = tpu.memref_slice %arg2[%dma_start3A_86, %dma_start3A_87] : memref<9216x1024xf32, #tpu.memory_space<hbm>> -> memref<9216x1024xf32, #tpu.memory_space<hbm>>
    tpu.enqueue_indirect_dma source(%dma_start3A_88 : memref<9216x1024xf32, #tpu.memory_space<hbm>>) target(%dma_start3A_83 : memref<32x1024xf32, #tpu.memory_space<vmem>>) offsets(%dma_start3A_85 : memref<32xi32, #tpu.memory_space<vmem>>) semaphore(%arg7 : memref<!tpu.dma_semaphore, #tpu.memory_space<semaphore_mem>>)
    %dma_wait3A_89 = arith.constant 1 : i32
    %dma_wait3A_90 = arith.constant 0 : i32
    %dma_wait3A_91 = arith.constant 0 : i32
    %dma_wait3A_92 = tpu.memref_slice %arg6[%dma_wait3A_89, %dma_wait3A_90, %dma_wait3A_91] : memref<2x32x1024xf32, #tpu.memory_space<vmem>> -> memref<1x32x1024xf32, #tpu.memory_space<vmem>>
    %dma_wait3A_93 = tpu.memref_squeeze %dma_wait3A_92 : memref<1x32x1024xf32, #tpu.memory_space<vmem>> -> memref<32x1024xf32, #tpu.memory_space<vmem>>
    %dma_wait3A_94 = arith.constant 96 : i32
    %dma_wait3A_95 = tpu.memref_slice %arg5[%dma_wait3A_94] : memref<256xi32, #tpu.memory_space<vmem>> -> memref<32xi32, #tpu.memory_space<vmem>>
    %dma_wait3A_96 = arith.constant 0 : i32
    %dma_wait3A_97 = arith.constant 0 : i32
    %dma_wait3A_98 = tpu.memref_slice %arg2[%dma_wait3A_96, %dma_wait3A_97] : memref<9216x1024xf32, #tpu.memory_space<hbm>> -> memref<9216x1024xf32, #tpu.memory_space<hbm>>
    tpu.wait_indirect_dma semaphore(%arg8 : memref<!tpu.dma_semaphore, #tpu.memory_space<semaphore_mem>>) src(%dma_wait3A_98 : memref<9216x1024xf32, #tpu.memory_space<hbm>>) dst(%dma_wait3A_93 : memref<32x1024xf32, #tpu.memory_space<vmem>>)
    %add3A_99 = arith.constant 96 : i32
    %add3A_100 = arith.addi %mul3A_2, %add3A_99 : i32
    %run_scoped3A_101 = arith.constant 1 : i32
    "tpu.region"() ({
      %run_scoped3A_184 = tpu.sem_alloc : memref<!tpu.dma_semaphore, #tpu.memory_space<semaphore_mem>>
      %dma_start3A_185 = arith.constant 0 : i32
      %dma_start3A_186 = arith.constant 0 : i32
      %dma_start3A_187 = tpu.memref_slice %arg6[%run_scoped3A_101, %dma_start3A_185, %dma_start3A_186] : memref<2x32x1024xf32, #tpu.memory_space<vmem>> -> memref<1x32x1024xf32, #tpu.memory_space<vmem>>
      %dma_start3A_188 = tpu.memref_squeeze %dma_start3A_187 : memref<1x32x1024xf32, #tpu.memory_space<vmem>> -> memref<32x1024xf32, #tpu.memory_space<vmem>>
      %dma_start3A_189 = arith.constant 0 : i32
      %dma_start3A_190 = tpu.memref_slice %arg4[%add3A_100, %dma_start3A_189] : memref<8192x1024xf32, #tpu.memory_space<hbm>> -> memref<32x1024xf32, #tpu.memory_space<hbm>>
      %dma_start3A_191 = arith.constant 0 : i32
      %dma_start3A_192 = tpu.memref_slice %arg4[%add3A_100, %dma_start3A_191] : memref<8192x1024xf32, #tpu.memory_space<hbm>> -> memref<32x1024xf32, #tpu.memory_space<hbm>>
      %dma_start3A_193 = arith.constant 0 : i32
      %dma_start3A_194 = arith.constant 0 : i32
      %dma_start3A_195 = tpu.memref_slice %arg6[%run_scoped3A_101, %dma_start3A_193, %dma_start3A_194] : memref<2x32x1024xf32, #tpu.memory_space<vmem>> -> memref<1x32x1024xf32, #tpu.memory_space<vmem>>
      %dma_start3A_196 = tpu.memref_squeeze %dma_start3A_195 : memref<1x32x1024xf32, #tpu.memory_space<vmem>> -> memref<32x1024xf32, #tpu.memory_space<vmem>>
      tpu.enqueue_dma source(%dma_start3A_196 : memref<32x1024xf32, #tpu.memory_space<vmem>>) target(%dma_start3A_192 : memref<32x1024xf32, #tpu.memory_space<hbm>>) target_semaphore(%run_scoped3A_184 : memref<!tpu.dma_semaphore, #tpu.memory_space<semaphore_mem>>)
      %dma_wait3A_197 = arith.constant 0 : i32
      %dma_wait3A_198 = arith.constant 0 : i32
      %dma_wait3A_199 = tpu.memref_slice %arg6[%run_scoped3A_101, %dma_wait3A_197, %dma_wait3A_198] : memref<2x32x1024xf32, #tpu.memory_space<vmem>> -> memref<1x32x1024xf32, #tpu.memory_space<vmem>>
      %dma_wait3A_200 = tpu.memref_squeeze %dma_wait3A_199 : memref<1x32x1024xf32, #tpu.memory_space<vmem>> -> memref<32x1024xf32, #tpu.memory_space<vmem>>
      %dma_wait3A_201 = arith.constant 0 : i32
      %dma_wait3A_202 = tpu.memref_slice %arg4[%add3A_100, %dma_wait3A_201] : memref<8192x1024xf32, #tpu.memory_space<hbm>> -> memref<32x1024xf32, #tpu.memory_space<hbm>>
      %dma_wait3A_203 = arith.constant 0 : i32
      %dma_wait3A_204 = tpu.memref_slice %arg4[%add3A_100, %dma_wait3A_203] : memref<8192x1024xf32, #tpu.memory_space<hbm>> -> memref<32x1024xf32, #tpu.memory_space<hbm>>
      %dma_wait3A_205 = arith.constant 0 : i32
      %dma_wait3A_206 = arith.constant 0 : i32
      %dma_wait3A_207 = tpu.memref_slice %arg6[%run_scoped3A_101, %dma_wait3A_205, %dma_wait3A_206] : memref<2x32x1024xf32, #tpu.memory_space<vmem>> -> memref<1x32x1024xf32, #tpu.memory_space<vmem>>
      %dma_wait3A_208 = tpu.memref_squeeze %dma_wait3A_207 : memref<1x32x1024xf32, #tpu.memory_space<vmem>> -> memref<32x1024xf32, #tpu.memory_space<vmem>>
      tpu.wait_dma2 semaphore(%run_scoped3A_184 : memref<!tpu.dma_semaphore, #tpu.memory_space<semaphore_mem>>) src(%dma_wait3A_208 : memref<32x1024xf32, #tpu.memory_space<vmem>>) dst(%dma_wait3A_204 : memref<32x1024xf32, #tpu.memory_space<hbm>>)
      tpu.yield
    }) : () -> ()
    %dma_start3A_102 = arith.constant 1 : i32
    %dma_start3A_103 = arith.constant 0 : i32
    %dma_start3A_104 = arith.constant 0 : i32
    %dma_start3A_105 = tpu.memref_slice %arg6[%dma_start3A_102, %dma_start3A_103, %dma_start3A_104] : memref<2x32x1024xf32, #tpu.memory_space<vmem>> -> memref<1x32x1024xf32, #tpu.memory_space<vmem>>
    %dma_start3A_106 = tpu.memref_squeeze %dma_start3A_105 : memref<1x32x1024xf32, #tpu.memory_space<vmem>> -> memref<32x1024xf32, #tpu.memory_space<vmem>>
    %dma_start3A_107 = arith.constant 160 : i32
    %dma_start3A_108 = tpu.memref_slice %arg5[%dma_start3A_107] : memref<256xi32, #tpu.memory_space<vmem>> -> memref<32xi32, #tpu.memory_space<vmem>>
    %dma_start3A_109 = arith.constant 0 : i32
    %dma_start3A_110 = arith.constant 0 : i32
    %dma_start3A_111 = tpu.memref_slice %arg2[%dma_start3A_109, %dma_start3A_110] : memref<9216x1024xf32, #tpu.memory_space<hbm>> -> memref<9216x1024xf32, #tpu.memory_space<hbm>>
    tpu.enqueue_indirect_dma source(%dma_start3A_111 : memref<9216x1024xf32, #tpu.memory_space<hbm>>) target(%dma_start3A_106 : memref<32x1024xf32, #tpu.memory_space<vmem>>) offsets(%dma_start3A_108 : memref<32xi32, #tpu.memory_space<vmem>>) semaphore(%arg8 : memref<!tpu.dma_semaphore, #tpu.memory_space<semaphore_mem>>)
    %dma_wait3A_112 = arith.constant 0 : i32
    %dma_wait3A_113 = arith.constant 0 : i32
    %dma_wait3A_114 = arith.constant 0 : i32
    %dma_wait3A_115 = tpu.memref_slice %arg6[%dma_wait3A_112, %dma_wait3A_113, %dma_wait3A_114] : memref<2x32x1024xf32, #tpu.memory_space<vmem>> -> memref<1x32x1024xf32, #tpu.memory_space<vmem>>
    %dma_wait3A_116 = tpu.memref_squeeze %dma_wait3A_115 : memref<1x32x1024xf32, #tpu.memory_space<vmem>> -> memref<32x1024xf32, #tpu.memory_space<vmem>>
    %dma_wait3A_117 = arith.constant 128 : i32
    %dma_wait3A_118 = tpu.memref_slice %arg5[%dma_wait3A_117] : memref<256xi32, #tpu.memory_space<vmem>> -> memref<32xi32, #tpu.memory_space<vmem>>
    %dma_wait3A_119 = arith.constant 0 : i32
    %dma_wait3A_120 = arith.constant 0 : i32
    %dma_wait3A_121 = tpu.memref_slice %arg2[%dma_wait3A_119, %dma_wait3A_120] : memref<9216x1024xf32, #tpu.memory_space<hbm>> -> memref<9216x1024xf32, #tpu.memory_space<hbm>>
    tpu.wait_indirect_dma semaphore(%arg7 : memref<!tpu.dma_semaphore, #tpu.memory_space<semaphore_mem>>) src(%dma_wait3A_121 : memref<9216x1024xf32, #tpu.memory_space<hbm>>) dst(%dma_wait3A_116 : memref<32x1024xf32, #tpu.memory_space<vmem>>)
    %add3A_122 = arith.constant 128 : i32
    %add3A_123 = arith.addi %mul3A_2, %add3A_122 : i32
    %run_scoped3A_124 = arith.constant 0 : i32
    "tpu.region"() ({
      %run_scoped3A_184 = tpu.sem_alloc : memref<!tpu.dma_semaphore, #tpu.memory_space<semaphore_mem>>
      %dma_start3A_185 = arith.constant 0 : i32
      %dma_start3A_186 = arith.constant 0 : i32
      %dma_start3A_187 = tpu.memref_slice %arg6[%run_scoped3A_124, %dma_start3A_185, %dma_start3A_186] : memref<2x32x1024xf32, #tpu.memory_space<vmem>> -> memref<1x32x1024xf32, #tpu.memory_space<vmem>>
      %dma_start3A_188 = tpu.memref_squeeze %dma_start3A_187 : memref<1x32x1024xf32, #tpu.memory_space<vmem>> -> memref<32x1024xf32, #tpu.memory_space<vmem>>
      %dma_start3A_189 = arith.constant 0 : i32
      %dma_start3A_190 = tpu.memref_slice %arg4[%add3A_123, %dma_start3A_189] : memref<8192x1024xf32, #tpu.memory_space<hbm>> -> memref<32x1024xf32, #tpu.memory_space<hbm>>
      %dma_start3A_191 = arith.constant 0 : i32
      %dma_start3A_192 = tpu.memref_slice %arg4[%add3A_123, %dma_start3A_191] : memref<8192x1024xf32, #tpu.memory_space<hbm>> -> memref<32x1024xf32, #tpu.memory_space<hbm>>
      %dma_start3A_193 = arith.constant 0 : i32
      %dma_start3A_194 = arith.constant 0 : i32
      %dma_start3A_195 = tpu.memref_slice %arg6[%run_scoped3A_124, %dma_start3A_193, %dma_start3A_194] : memref<2x32x1024xf32, #tpu.memory_space<vmem>> -> memref<1x32x1024xf32, #tpu.memory_space<vmem>>
      %dma_start3A_196 = tpu.memref_squeeze %dma_start3A_195 : memref<1x32x1024xf32, #tpu.memory_space<vmem>> -> memref<32x1024xf32, #tpu.memory_space<vmem>>
      tpu.enqueue_dma source(%dma_start3A_196 : memref<32x1024xf32, #tpu.memory_space<vmem>>) target(%dma_start3A_192 : memref<32x1024xf32, #tpu.memory_space<hbm>>) target_semaphore(%run_scoped3A_184 : memref<!tpu.dma_semaphore, #tpu.memory_space<semaphore_mem>>)
      %dma_wait3A_197 = arith.constant 0 : i32
      %dma_wait3A_198 = arith.constant 0 : i32
      %dma_wait3A_199 = tpu.memref_slice %arg6[%run_scoped3A_124, %dma_wait3A_197, %dma_wait3A_198] : memref<2x32x1024xf32, #tpu.memory_space<vmem>> -> memref<1x32x1024xf32, #tpu.memory_space<vmem>>
      %dma_wait3A_200 = tpu.memref_squeeze %dma_wait3A_199 : memref<1x32x1024xf32, #tpu.memory_space<vmem>> -> memref<32x1024xf32, #tpu.memory_space<vmem>>
      %dma_wait3A_201 = arith.constant 0 : i32
      %dma_wait3A_202 = tpu.memref_slice %arg4[%add3A_123, %dma_wait3A_201] : memref<8192x1024xf32, #tpu.memory_space<hbm>> -> memref<32x1024xf32, #tpu.memory_space<hbm>>
      %dma_wait3A_203 = arith.constant 0 : i32
      %dma_wait3A_204 = tpu.memref_slice %arg4[%add3A_123, %dma_wait3A_203] : memref<8192x1024xf32, #tpu.memory_space<hbm>> -> memref<32x1024xf32, #tpu.memory_space<hbm>>
      %dma_wait3A_205 = arith.constant 0 : i32
      %dma_wait3A_206 = arith.constant 0 : i32
      %dma_wait3A_207 = tpu.memref_slice %arg6[%run_scoped3A_124, %dma_wait3A_205, %dma_wait3A_206] : memref<2x32x1024xf32, #tpu.memory_space<vmem>> -> memref<1x32x1024xf32, #tpu.memory_space<vmem>>
      %dma_wait3A_208 = tpu.memref_squeeze %dma_wait3A_207 : memref<1x32x1024xf32, #tpu.memory_space<vmem>> -> memref<32x1024xf32, #tpu.memory_space<vmem>>
      tpu.wait_dma2 semaphore(%run_scoped3A_184 : memref<!tpu.dma_semaphore, #tpu.memory_space<semaphore_mem>>) src(%dma_wait3A_208 : memref<32x1024xf32, #tpu.memory_space<vmem>>) dst(%dma_wait3A_204 : memref<32x1024xf32, #tpu.memory_space<hbm>>)
      tpu.yield
    }) : () -> ()
    %dma_start3A_125 = arith.constant 0 : i32
    %dma_start3A_126 = arith.constant 0 : i32
    %dma_start3A_127 = arith.constant 0 : i32
    %dma_start3A_128 = tpu.memref_slice %arg6[%dma_start3A_125, %dma_start3A_126, %dma_start3A_127] : memref<2x32x1024xf32, #tpu.memory_space<vmem>> -> memref<1x32x1024xf32, #tpu.memory_space<vmem>>
    %dma_start3A_129 = tpu.memref_squeeze %dma_start3A_128 : memref<1x32x1024xf32, #tpu.memory_space<vmem>> -> memref<32x1024xf32, #tpu.memory_space<vmem>>
    %dma_start3A_130 = arith.constant 192 : i32
    %dma_start3A_131 = tpu.memref_slice %arg5[%dma_start3A_130] : memref<256xi32, #tpu.memory_space<vmem>> -> memref<32xi32, #tpu.memory_space<vmem>>
    %dma_start3A_132 = arith.constant 0 : i32
    %dma_start3A_133 = arith.constant 0 : i32
    %dma_start3A_134 = tpu.memref_slice %arg2[%dma_start3A_132, %dma_start3A_133] : memref<9216x1024xf32, #tpu.memory_space<hbm>> -> memref<9216x1024xf32, #tpu.memory_space<hbm>>
    tpu.enqueue_indirect_dma source(%dma_start3A_134 : memref<9216x1024xf32, #tpu.memory_space<hbm>>) target(%dma_start3A_129 : memref<32x1024xf32, #tpu.memory_space<vmem>>) offsets(%dma_start3A_131 : memref<32xi32, #tpu.memory_space<vmem>>) semaphore(%arg7 : memref<!tpu.dma_semaphore, #tpu.memory_space<semaphore_mem>>)
    %dma_wait3A_135 = arith.constant 1 : i32
    %dma_wait3A_136 = arith.constant 0 : i32
    %dma_wait3A_137 = arith.constant 0 : i32
    %dma_wait3A_138 = tpu.memref_slice %arg6[%dma_wait3A_135, %dma_wait3A_136, %dma_wait3A_137] : memref<2x32x1024xf32, #tpu.memory_space<vmem>> -> memref<1x32x1024xf32, #tpu.memory_space<vmem>>
    %dma_wait3A_139 = tpu.memref_squeeze %dma_wait3A_138 : memref<1x32x1024xf32, #tpu.memory_space<vmem>> -> memref<32x1024xf32, #tpu.memory_space<vmem>>
    %dma_wait3A_140 = arith.constant 160 : i32
    %dma_wait3A_141 = tpu.memref_slice %arg5[%dma_wait3A_140] : memref<256xi32, #tpu.memory_space<vmem>> -> memref<32xi32, #tpu.memory_space<vmem>>
    %dma_wait3A_142 = arith.constant 0 : i32
    %dma_wait3A_143 = arith.constant 0 : i32
    %dma_wait3A_144 = tpu.memref_slice %arg2[%dma_wait3A_142, %dma_wait3A_143] : memref<9216x1024xf32, #tpu.memory_space<hbm>> -> memref<9216x1024xf32, #tpu.memory_space<hbm>>
    tpu.wait_indirect_dma semaphore(%arg8 : memref<!tpu.dma_semaphore, #tpu.memory_space<semaphore_mem>>) src(%dma_wait3A_144 : memref<9216x1024xf32, #tpu.memory_space<hbm>>) dst(%dma_wait3A_139 : memref<32x1024xf32, #tpu.memory_space<vmem>>)
    %add3A_145 = arith.constant 160 : i32
    %add3A_146 = arith.addi %mul3A_2, %add3A_145 : i32
    %run_scoped3A_147 = arith.constant 1 : i32
    "tpu.region"() ({
      %run_scoped3A_184 = tpu.sem_alloc : memref<!tpu.dma_semaphore, #tpu.memory_space<semaphore_mem>>
      %dma_start3A_185 = arith.constant 0 : i32
      %dma_start3A_186 = arith.constant 0 : i32
      %dma_start3A_187 = tpu.memref_slice %arg6[%run_scoped3A_147, %dma_start3A_185, %dma_start3A_186] : memref<2x32x1024xf32, #tpu.memory_space<vmem>> -> memref<1x32x1024xf32, #tpu.memory_space<vmem>>
      %dma_start3A_188 = tpu.memref_squeeze %dma_start3A_187 : memref<1x32x1024xf32, #tpu.memory_space<vmem>> -> memref<32x1024xf32, #tpu.memory_space<vmem>>
      %dma_start3A_189 = arith.constant 0 : i32
      %dma_start3A_190 = tpu.memref_slice %arg4[%add3A_146, %dma_start3A_189] : memref<8192x1024xf32, #tpu.memory_space<hbm>> -> memref<32x1024xf32, #tpu.memory_space<hbm>>
      %dma_start3A_191 = arith.constant 0 : i32
      %dma_start3A_192 = tpu.memref_slice %arg4[%add3A_146, %dma_start3A_191] : memref<8192x1024xf32, #tpu.memory_space<hbm>> -> memref<32x1024xf32, #tpu.memory_space<hbm>>
      %dma_start3A_193 = arith.constant 0 : i32
      %dma_start3A_194 = arith.constant 0 : i32
      %dma_start3A_195 = tpu.memref_slice %arg6[%run_scoped3A_147, %dma_start3A_193, %dma_start3A_194] : memref<2x32x1024xf32, #tpu.memory_space<vmem>> -> memref<1x32x1024xf32, #tpu.memory_space<vmem>>
      %dma_start3A_196 = tpu.memref_squeeze %dma_start3A_195 : memref<1x32x1024xf32, #tpu.memory_space<vmem>> -> memref<32x1024xf32, #tpu.memory_space<vmem>>
      tpu.enqueue_dma source(%dma_start3A_196 : memref<32x1024xf32, #tpu.memory_space<vmem>>) target(%dma_start3A_192 : memref<32x1024xf32, #tpu.memory_space<hbm>>) target_semaphore(%run_scoped3A_184 : memref<!tpu.dma_semaphore, #tpu.memory_space<semaphore_mem>>)
      %dma_wait3A_197 = arith.constant 0 : i32
      %dma_wait3A_198 = arith.constant 0 : i32
      %dma_wait3A_199 = tpu.memref_slice %arg6[%run_scoped3A_147, %dma_wait3A_197, %dma_wait3A_198] : memref<2x32x1024xf32, #tpu.memory_space<vmem>> -> memref<1x32x1024xf32, #tpu.memory_space<vmem>>
      %dma_wait3A_200 = tpu.memref_squeeze %dma_wait3A_199 : memref<1x32x1024xf32, #tpu.memory_space<vmem>> -> memref<32x1024xf32, #tpu.memory_space<vmem>>
      %dma_wait3A_201 = arith.constant 0 : i32
      %dma_wait3A_202 = tpu.memref_slice %arg4[%add3A_146, %dma_wait3A_201] : memref<8192x1024xf32, #tpu.memory_space<hbm>> -> memref<32x1024xf32, #tpu.memory_space<hbm>>
      %dma_wait3A_203 = arith.constant 0 : i32
      %dma_wait3A_204 = tpu.memref_slice %arg4[%add3A_146, %dma_wait3A_203] : memref<8192x1024xf32, #tpu.memory_space<hbm>> -> memref<32x1024xf32, #tpu.memory_space<hbm>>
      %dma_wait3A_205 = arith.constant 0 : i32
      %dma_wait3A_206 = arith.constant 0 : i32
      %dma_wait3A_207 = tpu.memref_slice %arg6[%run_scoped3A_147, %dma_wait3A_205, %dma_wait3A_206] : memref<2x32x1024xf32, #tpu.memory_space<vmem>> -> memref<1x32x1024xf32, #tpu.memory_space<vmem>>
      %dma_wait3A_208 = tpu.memref_squeeze %dma_wait3A_207 : memref<1x32x1024xf32, #tpu.memory_space<vmem>> -> memref<32x1024xf32, #tpu.memory_space<vmem>>
      tpu.wait_dma2 semaphore(%run_scoped3A_184 : memref<!tpu.dma_semaphore, #tpu.memory_space<semaphore_mem>>) src(%dma_wait3A_208 : memref<32x1024xf32, #tpu.memory_space<vmem>>) dst(%dma_wait3A_204 : memref<32x1024xf32, #tpu.memory_space<hbm>>)
      tpu.yield
    }) : () -> ()
    %dma_start3A_148 = arith.constant 1 : i32
    %dma_start3A_149 = arith.constant 0 : i32
    %dma_start3A_150 = arith.constant 0 : i32
    %dma_start3A_151 = tpu.memref_slice %arg6[%dma_start3A_148, %dma_start3A_149, %dma_start3A_150] : memref<2x32x1024xf32, #tpu.memory_space<vmem>> -> memref<1x32x1024xf32, #tpu.memory_space<vmem>>
    %dma_start3A_152 = tpu.memref_squeeze %dma_start3A_151 : memref<1x32x1024xf32, #tpu.memory_space<vmem>> -> memref<32x1024xf32, #tpu.memory_space<vmem>>
    %dma_start3A_153 = arith.constant 224 : i32
    %dma_start3A_154 = tpu.memref_slice %arg5[%dma_start3A_153] : memref<256xi32, #tpu.memory_space<vmem>> -> memref<32xi32, #tpu.memory_space<vmem>>
    %dma_start3A_155 = arith.constant 0 : i32
    %dma_start3A_156 = arith.constant 0 : i32
    %dma_start3A_157 = tpu.memref_slice %arg2[%dma_start3A_155, %dma_start3A_156] : memref<9216x1024xf32, #tpu.memory_space<hbm>> -> memref<9216x1024xf32, #tpu.memory_space<hbm>>
    tpu.enqueue_indirect_dma source(%dma_start3A_157 : memref<9216x1024xf32, #tpu.memory_space<hbm>>) target(%dma_start3A_152 : memref<32x1024xf32, #tpu.memory_space<vmem>>) offsets(%dma_start3A_154 : memref<32xi32, #tpu.memory_space<vmem>>) semaphore(%arg8 : memref<!tpu.dma_semaphore, #tpu.memory_space<semaphore_mem>>)
    %dma_wait3A_158 = arith.constant 0 : i32
    %dma_wait3A_159 = arith.constant 0 : i32
    %dma_wait3A_160 = arith.constant 0 : i32
    %dma_wait3A_161 = tpu.memref_slice %arg6[%dma_wait3A_158, %dma_wait3A_159, %dma_wait3A_160] : memref<2x32x1024xf32, #tpu.memory_space<vmem>> -> memref<1x32x1024xf32, #tpu.memory_space<vmem>>
    %dma_wait3A_162 = tpu.memref_squeeze %dma_wait3A_161 : memref<1x32x1024xf32, #tpu.memory_space<vmem>> -> memref<32x1024xf32, #tpu.memory_space<vmem>>
    %dma_wait3A_163 = arith.constant 192 : i32
    %dma_wait3A_164 = tpu.memref_slice %arg5[%dma_wait3A_163] : memref<256xi32, #tpu.memory_space<vmem>> -> memref<32xi32, #tpu.memory_space<vmem>>
    %dma_wait3A_165 = arith.constant 0 : i32
    %dma_wait3A_166 = arith.constant 0 : i32
    %dma_wait3A_167 = tpu.memref_slice %arg2[%dma_wait3A_165, %dma_wait3A_166] : memref<9216x1024xf32, #tpu.memory_space<hbm>> -> memref<9216x1024xf32, #tpu.memory_space<hbm>>
    tpu.wait_indirect_dma semaphore(%arg7 : memref<!tpu.dma_semaphore, #tpu.memory_space<semaphore_mem>>) src(%dma_wait3A_167 : memref<9216x1024xf32, #tpu.memory_space<hbm>>) dst(%dma_wait3A_162 : memref<32x1024xf32, #tpu.memory_space<vmem>>)
    %add3A_168 = arith.constant 192 : i32
    %add3A_169 = arith.addi %mul3A_2, %add3A_168 : i32
    %run_scoped3A_170 = arith.constant 0 : i32
    "tpu.region"() ({
      %run_scoped3A_184 = tpu.sem_alloc : memref<!tpu.dma_semaphore, #tpu.memory_space<semaphore_mem>>
      %dma_start3A_185 = arith.constant 0 : i32
      %dma_start3A_186 = arith.constant 0 : i32
      %dma_start3A_187 = tpu.memref_slice %arg6[%run_scoped3A_170, %dma_start3A_185, %dma_start3A_186] : memref<2x32x1024xf32, #tpu.memory_space<vmem>> -> memref<1x32x1024xf32, #tpu.memory_space<vmem>>
      %dma_start3A_188 = tpu.memref_squeeze %dma_start3A_187 : memref<1x32x1024xf32, #tpu.memory_space<vmem>> -> memref<32x1024xf32, #tpu.memory_space<vmem>>
      %dma_start3A_189 = arith.constant 0 : i32
      %dma_start3A_190 = tpu.memref_slice %arg4[%add3A_169, %dma_start3A_189] : memref<8192x1024xf32, #tpu.memory_space<hbm>> -> memref<32x1024xf32, #tpu.memory_space<hbm>>
      %dma_start3A_191 = arith.constant 0 : i32
      %dma_start3A_192 = tpu.memref_slice %arg4[%add3A_169, %dma_start3A_191] : memref<8192x1024xf32, #tpu.memory_space<hbm>> -> memref<32x1024xf32, #tpu.memory_space<hbm>>
      %dma_start3A_193 = arith.constant 0 : i32
      %dma_start3A_194 = arith.constant 0 : i32
      %dma_start3A_195 = tpu.memref_slice %arg6[%run_scoped3A_170, %dma_start3A_193, %dma_start3A_194] : memref<2x32x1024xf32, #tpu.memory_space<vmem>> -> memref<1x32x1024xf32, #tpu.memory_space<vmem>>
      %dma_start3A_196 = tpu.memref_squeeze %dma_start3A_195 : memref<1x32x1024xf32, #tpu.memory_space<vmem>> -> memref<32x1024xf32, #tpu.memory_space<vmem>>
      tpu.enqueue_dma source(%dma_start3A_196 : memref<32x1024xf32, #tpu.memory_space<vmem>>) target(%dma_start3A_192 : memref<32x1024xf32, #tpu.memory_space<hbm>>) target_semaphore(%run_scoped3A_184 : memref<!tpu.dma_semaphore, #tpu.memory_space<semaphore_mem>>)
      %dma_wait3A_197 = arith.constant 0 : i32
      %dma_wait3A_198 = arith.constant 0 : i32
      %dma_wait3A_199 = tpu.memref_slice %arg6[%run_scoped3A_170, %dma_wait3A_197, %dma_wait3A_198] : memref<2x32x1024xf32, #tpu.memory_space<vmem>> -> memref<1x32x1024xf32, #tpu.memory_space<vmem>>
      %dma_wait3A_200 = tpu.memref_squeeze %dma_wait3A_199 : memref<1x32x1024xf32, #tpu.memory_space<vmem>> -> memref<32x1024xf32, #tpu.memory_space<vmem>>
      %dma_wait3A_201 = arith.constant 0 : i32
      %dma_wait3A_202 = tpu.memref_slice %arg4[%add3A_169, %dma_wait3A_201] : memref<8192x1024xf32, #tpu.memory_space<hbm>> -> memref<32x1024xf32, #tpu.memory_space<hbm>>
      %dma_wait3A_203 = arith.constant 0 : i32
      %dma_wait3A_204 = tpu.memref_slice %arg4[%add3A_169, %dma_wait3A_203] : memref<8192x1024xf32, #tpu.memory_space<hbm>> -> memref<32x1024xf32, #tpu.memory_space<hbm>>
      %dma_wait3A_205 = arith.constant 0 : i32
      %dma_wait3A_206 = arith.constant 0 : i32
      %dma_wait3A_207 = tpu.memref_slice %arg6[%run_scoped3A_170, %dma_wait3A_205, %dma_wait3A_206] : memref<2x32x1024xf32, #tpu.memory_space<vmem>> -> memref<1x32x1024xf32, #tpu.memory_space<vmem>>
      %dma_wait3A_208 = tpu.memref_squeeze %dma_wait3A_207 : memref<1x32x1024xf32, #tpu.memory_space<vmem>> -> memref<32x1024xf32, #tpu.memory_space<vmem>>
      tpu.wait_dma2 semaphore(%run_scoped3A_184 : memref<!tpu.dma_semaphore, #tpu.memory_space<semaphore_mem>>) src(%dma_wait3A_208 : memref<32x1024xf32, #tpu.memory_space<vmem>>) dst(%dma_wait3A_204 : memref<32x1024xf32, #tpu.memory_space<hbm>>)
      tpu.yield
    }) : () -> ()
    %dma_wait3A_171 = arith.constant 1 : i32
    %dma_wait3A_172 = arith.constant 0 : i32
    %dma_wait3A_173 = arith.constant 0 : i32
    %dma_wait3A_174 = tpu.memref_slice %arg6[%dma_wait3A_171, %dma_wait3A_172, %dma_wait3A_173] : memref<2x32x1024xf32, #tpu.memory_space<vmem>> -> memref<1x32x1024xf32, #tpu.memory_space<vmem>>
    %dma_wait3A_175 = tpu.memref_squeeze %dma_wait3A_174 : memref<1x32x1024xf32, #tpu.memory_space<vmem>> -> memref<32x1024xf32, #tpu.memory_space<vmem>>
    %dma_wait3A_176 = arith.constant 224 : i32
    %dma_wait3A_177 = tpu.memref_slice %arg5[%dma_wait3A_176] : memref<256xi32, #tpu.memory_space<vmem>> -> memref<32xi32, #tpu.memory_space<vmem>>
    %dma_wait3A_178 = arith.constant 0 : i32
    %dma_wait3A_179 = arith.constant 0 : i32
    %dma_wait3A_180 = tpu.memref_slice %arg2[%dma_wait3A_178, %dma_wait3A_179] : memref<9216x1024xf32, #tpu.memory_space<hbm>> -> memref<9216x1024xf32, #tpu.memory_space<hbm>>
    tpu.wait_indirect_dma semaphore(%arg8 : memref<!tpu.dma_semaphore, #tpu.memory_space<semaphore_mem>>) src(%dma_wait3A_180 : memref<9216x1024xf32, #tpu.memory_space<hbm>>) dst(%dma_wait3A_175 : memref<32x1024xf32, #tpu.memory_space<vmem>>)
    %add3A_181 = arith.constant 224 : i32
    %add3A_182 = arith.addi %mul3A_2, %add3A_181 : i32
    %run_scoped3A_183 = arith.constant 1 : i32
    "tpu.region"() ({
      %run_scoped3A_184 = tpu.sem_alloc : memref<!tpu.dma_semaphore, #tpu.memory_space<semaphore_mem>>
      %dma_start3A_185 = arith.constant 0 : i32
      %dma_start3A_186 = arith.constant 0 : i32
      %dma_start3A_187 = tpu.memref_slice %arg6[%run_scoped3A_183, %dma_start3A_185, %dma_start3A_186] : memref<2x32x1024xf32, #tpu.memory_space<vmem>> -> memref<1x32x1024xf32, #tpu.memory_space<vmem>>
      %dma_start3A_188 = tpu.memref_squeeze %dma_start3A_187 : memref<1x32x1024xf32, #tpu.memory_space<vmem>> -> memref<32x1024xf32, #tpu.memory_space<vmem>>
      %dma_start3A_189 = arith.constant 0 : i32
      %dma_start3A_190 = tpu.memref_slice %arg4[%add3A_182, %dma_start3A_189] : memref<8192x1024xf32, #tpu.memory_space<hbm>> -> memref<32x1024xf32, #tpu.memory_space<hbm>>
      %dma_start3A_191 = arith.constant 0 : i32
      %dma_start3A_192 = tpu.memref_slice %arg4[%add3A_182, %dma_start3A_191] : memref<8192x1024xf32, #tpu.memory_space<hbm>> -> memref<32x1024xf32, #tpu.memory_space<hbm>>
      %dma_start3A_193 = arith.constant 0 : i32
      %dma_start3A_194 = arith.constant 0 : i32
      %dma_start3A_195 = tpu.memref_slice %arg6[%run_scoped3A_183, %dma_start3A_193, %dma_start3A_194] : memref<2x32x1024xf32, #tpu.memory_space<vmem>> -> memref<1x32x1024xf32, #tpu.memory_space<vmem>>
      %dma_start3A_196 = tpu.memref_squeeze %dma_start3A_195 : memref<1x32x1024xf32, #tpu.memory_space<vmem>> -> memref<32x1024xf32, #tpu.memory_space<vmem>>
      tpu.enqueue_dma source(%dma_start3A_196 : memref<32x1024xf32, #tpu.memory_space<vmem>>) target(%dma_start3A_192 : memref<32x1024xf32, #tpu.memory_space<hbm>>) target_semaphore(%run_scoped3A_184 : memref<!tpu.dma_semaphore, #tpu.memory_space<semaphore_mem>>)
      %dma_wait3A_197 = arith.constant 0 : i32
      %dma_wait3A_198 = arith.constant 0 : i32
      %dma_wait3A_199 = tpu.memref_slice %arg6[%run_scoped3A_183, %dma_wait3A_197, %dma_wait3A_198] : memref<2x32x1024xf32, #tpu.memory_space<vmem>> -> memref<1x32x1024xf32, #tpu.memory_space<vmem>>
      %dma_wait3A_200 = tpu.memref_squeeze %dma_wait3A_199 : memref<1x32x1024xf32, #tpu.memory_space<vmem>> -> memref<32x1024xf32, #tpu.memory_space<vmem>>
      %dma_wait3A_201 = arith.constant 0 : i32
      %dma_wait3A_202 = tpu.memref_slice %arg4[%add3A_182, %dma_wait3A_201] : memref<8192x1024xf32, #tpu.memory_space<hbm>> -> memref<32x1024xf32, #tpu.memory_space<hbm>>
      %dma_wait3A_203 = arith.constant 0 : i32
      %dma_wait3A_204 = tpu.memref_slice %arg4[%add3A_182, %dma_wait3A_203] : memref<8192x1024xf32, #tpu.memory_space<hbm>> -> memref<32x1024xf32, #tpu.memory_space<hbm>>
      %dma_wait3A_205 = arith.constant 0 : i32
      %dma_wait3A_206 = arith.constant 0 : i32
      %dma_wait3A_207 = tpu.memref_slice %arg6[%run_scoped3A_183, %dma_wait3A_205, %dma_wait3A_206] : memref<2x32x1024xf32, #tpu.memory_space<vmem>> -> memref<1x32x1024xf32, #tpu.memory_space<vmem>>
      %dma_wait3A_208 = tpu.memref_squeeze %dma_wait3A_207 : memref<1x32x1024xf32, #tpu.memory_space<vmem>> -> memref<32x1024xf32, #tpu.memory_space<vmem>>
      tpu.wait_dma2 semaphore(%run_scoped3A_184 : memref<!tpu.dma_semaphore, #tpu.memory_space<semaphore_mem>>) src(%dma_wait3A_208 : memref<32x1024xf32, #tpu.memory_space<vmem>>) dst(%dma_wait3A_204 : memref<32x1024xf32, #tpu.memory_space<hbm>>)
      tpu.yield
    }) : () -> ()
    return
  }
}

module attributes {stable_mosaic.version = 14 : i64} {
  func.func @body(%arg0: i32, %arg1: memref<8x1024xi32, #tpu.memory_space<vmem>>, %arg2: memref<8x1024xf32, #tpu.memory_space<vmem>>, %arg3: memref<8x128xi32, #tpu.memory_space<vmem>>) attributes {dimension_semantics = [#tpu.dimension_semantics<arbitrary>], iteration_bounds = array<i64: 8>, scalar_prefetch = 0 : i64, scratch_operands = 0 : i64, tpu.core_type = #tpu.core_type<tc>, window_params = [{pipeline_mode = #tpu.pipeline_mode<synchronous>, transform_indices = @transform_0, window_bounds = array<i64: 8, 1024>}, {pipeline_mode = #tpu.pipeline_mode<synchronous>, transform_indices = @transform_1, window_bounds = array<i64: 8, 1024>}, {transform_indices = @transform_2, window_bounds = array<i64: 8, 128>}]} {
    %get3A = arith.constant 0 : index
    %get3A_0 = arith.constant 0 : index
    %get3A_1 = vector.load %arg1[%get3A, %get3A_0] : memref<8x1024xi32, #tpu.memory_space<vmem>>, vector<1x1024xi32>
    %get3A_2 = arith.constant 0 : index
    %get3A_3 = arith.constant 0 : index
    %get3A_4 = vector.load %arg2[%get3A_2, %get3A_3] : memref<8x1024xf32, #tpu.memory_space<vmem>>, vector<1x1024xf32>
    %iota3A = tpu.iota {dimensions = array<i32: 1>} : vector<1x1024xi32>
    %convert_element_type3A = arith.sitofp %iota3A : vector<1x1024xi32> to vector<1x1024xf32>
    %broadcast_in_dim3A = arith.constant 1.000000e+00 : f32
    %broadcast_in_dim3A_5 = vector.broadcast %broadcast_in_dim3A : f32 to vector<1x1024xf32>
    %mul3A = arith.constant 8 : i32
    %mul3A_6 = arith.muli %arg0, %mul3A : i32
    %mul3A_7 = arith.constant 128 : i32
    %mul3A_8 = arith.muli %mul3A_6, %mul3A_7 : i32
    %add3A = arith.constant 0 : i32
    %add3A_9 = arith.addi %mul3A_8, %add3A : i32
    %iota3A_10 = tpu.iota {dimensions = array<i32: 0>} : vector<128x1xi32>
    %add3A_11 = vector.broadcast %add3A_9 : i32 to vector<128x1xi32>
    %add3A_12 = arith.addi %add3A_11, %iota3A_10 : vector<128x1xi32>
    %shift_right_logical3A = arith.constant 5 : i32
    %shift_right_logical3A_13 = vector.broadcast %shift_right_logical3A : i32 to vector<128x1xi32>
    %shift_right_logical3A_14 = arith.shrui %add3A_12, %shift_right_logical3A_13 : vector<128x1xi32>
    %mul3A_15 = arith.constant 32 : i32
    %mul3A_16 = vector.broadcast %mul3A_15 : i32 to vector<128x1xi32>
    %mul3A_17 = arith.muli %shift_right_logical3A_14, %mul3A_16 : vector<128x1xi32>
    %sub3A = arith.subi %add3A_12, %mul3A_17 : vector<128x1xi32>
    %eq3A = vector.broadcast %get3A_1 : vector<1x1024xi32> to vector<128x1024xi32>
    %eq3A_18 = vector.broadcast %shift_right_logical3A_14 : vector<128x1xi32> to vector<128x1024xi32>
    %eq3A_19 = arith.cmpi eq, %eq3A, %eq3A_18 : vector<128x1024xi32>
    %convert_element_type3A_20 = arith.extui %eq3A_19 : vector<128x1024xi1> to vector<128x1024xi32>
    %convert_element_type3A_21 = arith.sitofp %convert_element_type3A_20 : vector<128x1024xi32> to vector<128x1024xf32>
    %convert_element_type3A_22 = arith.sitofp %sub3A : vector<128x1xi32> to vector<128x1xf32>
    %eq3A_23 = vector.broadcast %get3A_4 : vector<1x1024xf32> to vector<128x1024xf32>
    %eq3A_24 = vector.broadcast %convert_element_type3A_22 : vector<128x1xf32> to vector<128x1024xf32>
    %eq3A_25 = arith.cmpf oeq, %eq3A_23, %eq3A_24 : vector<128x1024xf32>
    %convert_element_type3A_26 = arith.extui %eq3A_25 : vector<128x1024xi1> to vector<128x1024xi32>
    %convert_element_type3A_27 = arith.sitofp %convert_element_type3A_26 : vector<128x1024xi32> to vector<128x1024xf32>
    %mul3A_28 = arith.mulf %convert_element_type3A_21, %convert_element_type3A_27 : vector<128x1024xf32>
    %dot_general3A = arith.constant dense<0.000000e+00> : vector<1x128xf32>
    %dot_general3A_29 = tpu.matmul %convert_element_type3A, %mul3A_28, %dot_general3A {dimension_numbers = #tpu.dot_dimension_numbers<[1], [1], [0], [0], [0, 0, 1, 0], [], []>, precision = #tpu.contract_precision<fp32>, transpose_lhs_hint = false} : vector<1x1024xf32>, vector<128x1024xf32>, vector<1x128xf32> -> vector<1x128xf32>
    %dot_general3A_30 = arith.constant dense<0.000000e+00> : vector<1x128xf32>
    %dot_general3A_31 = tpu.matmul %broadcast_in_dim3A_5, %convert_element_type3A_21, %dot_general3A_30 {dimension_numbers = #tpu.dot_dimension_numbers<[1], [1], [0], [0], [0, 0, 1, 0], [], []>, precision = #tpu.contract_precision<fp32>, transpose_lhs_hint = false} : vector<1x1024xf32>, vector<128x1024xf32>, vector<1x128xf32> -> vector<1x128xf32>
    %iota3A_32 = tpu.iota {dimensions = array<i32: 1>} : vector<1x128xi32>
    %add3A_33 = vector.broadcast %add3A_9 : i32 to vector<1x128xi32>
    %add3A_34 = arith.addi %add3A_33, %iota3A_32 : vector<1x128xi32>
    %shift_right_logical3A_35 = arith.constant 5 : i32
    %shift_right_logical3A_36 = vector.broadcast %shift_right_logical3A_35 : i32 to vector<1x128xi32>
    %shift_right_logical3A_37 = arith.shrui %add3A_34, %shift_right_logical3A_36 : vector<1x128xi32>
    %mul3A_38 = arith.constant 32 : i32
    %mul3A_39 = vector.broadcast %mul3A_38 : i32 to vector<1x128xi32>
    %mul3A_40 = arith.muli %shift_right_logical3A_37, %mul3A_39 : vector<1x128xi32>
    %sub3A_41 = arith.subi %add3A_34, %mul3A_40 : vector<1x128xi32>
    %convert_element_type3A_42 = arith.fptosi %dot_general3A_31 : vector<1x128xf32> to vector<1x128xi32>
    %mul3A_43 = arith.constant 32 : i32
    %mul3A_44 = vector.broadcast %mul3A_43 : i32 to vector<1x128xi32>
    %mul3A_45 = arith.muli %shift_right_logical3A_37, %mul3A_44 : vector<1x128xi32>
    %add3A_46 = arith.constant 1024 : i32
    %add3A_47 = vector.broadcast %add3A_46 : i32 to vector<1x128xi32>
    %add3A_48 = arith.addi %add3A_47, %mul3A_45 : vector<1x128xi32>
    %sub3A_49 = arith.subi %sub3A_41, %convert_element_type3A_42 : vector<1x128xi32>
    %jit3A = arith.constant 0 : i32
    %jit3A_50 = arith.constant 31 : i32
    %max3A = vector.broadcast %jit3A : i32 to vector<1x128xi32>
    %max3A_51 = arith.maxsi %max3A, %sub3A_49 : vector<1x128xi32>
    %min3A = vector.broadcast %jit3A_50 : i32 to vector<1x128xi32>
    %min3A_52 = arith.minsi %min3A, %max3A_51 : vector<1x128xi32>
    %add3A_53 = arith.addi %add3A_48, %min3A_52 : vector<1x128xi32>
    %lt3A = arith.cmpi slt, %sub3A_41, %convert_element_type3A_42 : vector<1x128xi32>
    %convert_element_type3A_54 = arith.fptosi %dot_general3A_29 : vector<1x128xf32> to vector<1x128xi32>
    %select_n3A = arith.select %lt3A, %convert_element_type3A_54, %add3A_53 : vector<1x128xi1>, vector<1x128xi32>
    %swap3A = arith.constant 0 : index
    %swap3A_55 = arith.constant 0 : index
    %swap3A_56 = vector.load %arg3[%swap3A, %swap3A_55] : memref<8x128xi32, #tpu.memory_space<vmem>>, vector<1x128xi32>
    tpu.vector_store %arg3[%swap3A, %swap3A_55], %select_n3A {strides = array<i32>} : memref<8x128xi32, #tpu.memory_space<vmem>>, vector<1x128xi32>,
    %mul3A_57 = arith.constant 8 : i32
    %mul3A_58 = arith.muli %arg0, %mul3A_57 : i32
    %mul3A_59 = arith.constant 128 : i32
    %mul3A_60 = arith.muli %mul3A_58, %mul3A_59 : i32
    %add3A_61 = arith.constant 128 : i32
    %add3A_62 = arith.addi %mul3A_60, %add3A_61 : i32
    %iota3A_63 = tpu.iota {dimensions = array<i32: 0>} : vector<128x1xi32>
    %add3A_64 = vector.broadcast %add3A_62 : i32 to vector<128x1xi32>
    %add3A_65 = arith.addi %add3A_64, %iota3A_63 : vector<128x1xi32>
    %shift_right_logical3A_66 = arith.constant 5 : i32
    %shift_right_logical3A_67 = vector.broadcast %shift_right_logical3A_66 : i32 to vector<128x1xi32>
    %shift_right_logical3A_68 = arith.shrui %add3A_65, %shift_right_logical3A_67 : vector<128x1xi32>
    %mul3A_69 = arith.constant 32 : i32
    %mul3A_70 = vector.broadcast %mul3A_69 : i32 to vector<128x1xi32>
    %mul3A_71 = arith.muli %shift_right_logical3A_68, %mul3A_70 : vector<128x1xi32>
    %sub3A_72 = arith.subi %add3A_65, %mul3A_71 : vector<128x1xi32>
    %eq3A_73 = vector.broadcast %get3A_1 : vector<1x1024xi32> to vector<128x1024xi32>
    %eq3A_74 = vector.broadcast %shift_right_logical3A_68 : vector<128x1xi32> to vector<128x1024xi32>
    %eq3A_75 = arith.cmpi eq, %eq3A_73, %eq3A_74 : vector<128x1024xi32>
    %convert_element_type3A_76 = arith.extui %eq3A_75 : vector<128x1024xi1> to vector<128x1024xi32>
    %convert_element_type3A_77 = arith.sitofp %convert_element_type3A_76 : vector<128x1024xi32> to vector<128x1024xf32>
    %convert_element_type3A_78 = arith.sitofp %sub3A_72 : vector<128x1xi32> to vector<128x1xf32>
    %eq3A_79 = vector.broadcast %get3A_4 : vector<1x1024xf32> to vector<128x1024xf32>
    %eq3A_80 = vector.broadcast %convert_element_type3A_78 : vector<128x1xf32> to vector<128x1024xf32>
    %eq3A_81 = arith.cmpf oeq, %eq3A_79, %eq3A_80 : vector<128x1024xf32>
    %convert_element_type3A_82 = arith.extui %eq3A_81 : vector<128x1024xi1> to vector<128x1024xi32>
    %convert_element_type3A_83 = arith.sitofp %convert_element_type3A_82 : vector<128x1024xi32> to vector<128x1024xf32>
    %mul3A_84 = arith.mulf %convert_element_type3A_77, %convert_element_type3A_83 : vector<128x1024xf32>
    %dot_general3A_85 = arith.constant dense<0.000000e+00> : vector<1x128xf32>
    %dot_general3A_86 = tpu.matmul %convert_element_type3A, %mul3A_84, %dot_general3A_85 {dimension_numbers = #tpu.dot_dimension_numbers<[1], [1], [0], [0], [0, 0, 1, 0], [], []>, precision = #tpu.contract_precision<fp32>, transpose_lhs_hint = false} : vector<1x1024xf32>, vector<128x1024xf32>, vector<1x128xf32> -> vector<1x128xf32>
    %dot_general3A_87 = arith.constant dense<0.000000e+00> : vector<1x128xf32>
    %dot_general3A_88 = tpu.matmul %broadcast_in_dim3A_5, %convert_element_type3A_77, %dot_general3A_87 {dimension_numbers = #tpu.dot_dimension_numbers<[1], [1], [0], [0], [0, 0, 1, 0], [], []>, precision = #tpu.contract_precision<fp32>, transpose_lhs_hint = false} : vector<1x1024xf32>, vector<128x1024xf32>, vector<1x128xf32> -> vector<1x128xf32>
    %iota3A_89 = tpu.iota {dimensions = array<i32: 1>} : vector<1x128xi32>
    %add3A_90 = vector.broadcast %add3A_62 : i32 to vector<1x128xi32>
    %add3A_91 = arith.addi %add3A_90, %iota3A_89 : vector<1x128xi32>
    %shift_right_logical3A_92 = arith.constant 5 : i32
    %shift_right_logical3A_93 = vector.broadcast %shift_right_logical3A_92 : i32 to vector<1x128xi32>
    %shift_right_logical3A_94 = arith.shrui %add3A_91, %shift_right_logical3A_93 : vector<1x128xi32>
    %mul3A_95 = arith.constant 32 : i32
    %mul3A_96 = vector.broadcast %mul3A_95 : i32 to vector<1x128xi32>
    %mul3A_97 = arith.muli %shift_right_logical3A_94, %mul3A_96 : vector<1x128xi32>
    %sub3A_98 = arith.subi %add3A_91, %mul3A_97 : vector<1x128xi32>
    %convert_element_type3A_99 = arith.fptosi %dot_general3A_88 : vector<1x128xf32> to vector<1x128xi32>
    %mul3A_100 = arith.constant 32 : i32
    %mul3A_101 = vector.broadcast %mul3A_100 : i32 to vector<1x128xi32>
    %mul3A_102 = arith.muli %shift_right_logical3A_94, %mul3A_101 : vector<1x128xi32>
    %add3A_103 = arith.constant 1024 : i32
    %add3A_104 = vector.broadcast %add3A_103 : i32 to vector<1x128xi32>
    %add3A_105 = arith.addi %add3A_104, %mul3A_102 : vector<1x128xi32>
    %sub3A_106 = arith.subi %sub3A_98, %convert_element_type3A_99 : vector<1x128xi32>
    %jit3A_107 = arith.constant 0 : i32
    %jit3A_108 = arith.constant 31 : i32
    %max3A_109 = vector.broadcast %jit3A_107 : i32 to vector<1x128xi32>
    %max3A_110 = arith.maxsi %max3A_109, %sub3A_106 : vector<1x128xi32>
    %min3A_111 = vector.broadcast %jit3A_108 : i32 to vector<1x128xi32>
    %min3A_112 = arith.minsi %min3A_111, %max3A_110 : vector<1x128xi32>
    %add3A_113 = arith.addi %add3A_105, %min3A_112 : vector<1x128xi32>
    %lt3A_114 = arith.cmpi slt, %sub3A_98, %convert_element_type3A_99 : vector<1x128xi32>
    %convert_element_type3A_115 = arith.fptosi %dot_general3A_86 : vector<1x128xf32> to vector<1x128xi32>
    %select_n3A_116 = arith.select %lt3A_114, %convert_element_type3A_115, %add3A_113 : vector<1x128xi1>, vector<1x128xi32>
    %swap3A_117 = arith.constant 1 : index
    %swap3A_118 = arith.constant 0 : index
    %swap3A_119 = vector.load %arg3[%swap3A_117, %swap3A_118] : memref<8x128xi32, #tpu.memory_space<vmem>>, vector<1x128xi32>
    tpu.vector_store %arg3[%swap3A_117, %swap3A_118], %select_n3A_116 {strides = array<i32>} : memref<8x128xi32, #tpu.memory_space<vmem>>, vector<1x128xi32>,
    %mul3A_120 = arith.constant 8 : i32
    %mul3A_121 = arith.muli %arg0, %mul3A_120 : i32
    %mul3A_122 = arith.constant 128 : i32
    %mul3A_123 = arith.muli %mul3A_121, %mul3A_122 : i32
    %add3A_124 = arith.constant 256 : i32
    %add3A_125 = arith.addi %mul3A_123, %add3A_124 : i32
    %iota3A_126 = tpu.iota {dimensions = array<i32: 0>} : vector<128x1xi32>
    %add3A_127 = vector.broadcast %add3A_125 : i32 to vector<128x1xi32>
    %add3A_128 = arith.addi %add3A_127, %iota3A_126 : vector<128x1xi32>
    %shift_right_logical3A_129 = arith.constant 5 : i32
    %shift_right_logical3A_130 = vector.broadcast %shift_right_logical3A_129 : i32 to vector<128x1xi32>
    %shift_right_logical3A_131 = arith.shrui %add3A_128, %shift_right_logical3A_130 : vector<128x1xi32>
    %mul3A_132 = arith.constant 32 : i32
    %mul3A_133 = vector.broadcast %mul3A_132 : i32 to vector<128x1xi32>
    %mul3A_134 = arith.muli %shift_right_logical3A_131, %mul3A_133 : vector<128x1xi32>
    %sub3A_135 = arith.subi %add3A_128, %mul3A_134 : vector<128x1xi32>
    %eq3A_136 = vector.broadcast %get3A_1 : vector<1x1024xi32> to vector<128x1024xi32>
    %eq3A_137 = vector.broadcast %shift_right_logical3A_131 : vector<128x1xi32> to vector<128x1024xi32>
    %eq3A_138 = arith.cmpi eq, %eq3A_136, %eq3A_137 : vector<128x1024xi32>
    %convert_element_type3A_139 = arith.extui %eq3A_138 : vector<128x1024xi1> to vector<128x1024xi32>
    %convert_element_type3A_140 = arith.sitofp %convert_element_type3A_139 : vector<128x1024xi32> to vector<128x1024xf32>
    %convert_element_type3A_141 = arith.sitofp %sub3A_135 : vector<128x1xi32> to vector<128x1xf32>
    %eq3A_142 = vector.broadcast %get3A_4 : vector<1x1024xf32> to vector<128x1024xf32>
    %eq3A_143 = vector.broadcast %convert_element_type3A_141 : vector<128x1xf32> to vector<128x1024xf32>
    %eq3A_144 = arith.cmpf oeq, %eq3A_142, %eq3A_143 : vector<128x1024xf32>
    %convert_element_type3A_145 = arith.extui %eq3A_144 : vector<128x1024xi1> to vector<128x1024xi32>
    %convert_element_type3A_146 = arith.sitofp %convert_element_type3A_145 : vector<128x1024xi32> to vector<128x1024xf32>
    %mul3A_147 = arith.mulf %convert_element_type3A_140, %convert_element_type3A_146 : vector<128x1024xf32>
    %dot_general3A_148 = arith.constant dense<0.000000e+00> : vector<1x128xf32>
    %dot_general3A_149 = tpu.matmul %convert_element_type3A, %mul3A_147, %dot_general3A_148 {dimension_numbers = #tpu.dot_dimension_numbers<[1], [1], [0], [0], [0, 0, 1, 0], [], []>, precision = #tpu.contract_precision<fp32>, transpose_lhs_hint = false} : vector<1x1024xf32>, vector<128x1024xf32>, vector<1x128xf32> -> vector<1x128xf32>
    %dot_general3A_150 = arith.constant dense<0.000000e+00> : vector<1x128xf32>
    %dot_general3A_151 = tpu.matmul %broadcast_in_dim3A_5, %convert_element_type3A_140, %dot_general3A_150 {dimension_numbers = #tpu.dot_dimension_numbers<[1], [1], [0], [0], [0, 0, 1, 0], [], []>, precision = #tpu.contract_precision<fp32>, transpose_lhs_hint = false} : vector<1x1024xf32>, vector<128x1024xf32>, vector<1x128xf32> -> vector<1x128xf32>
    %iota3A_152 = tpu.iota {dimensions = array<i32: 1>} : vector<1x128xi32>
    %add3A_153 = vector.broadcast %add3A_125 : i32 to vector<1x128xi32>
    %add3A_154 = arith.addi %add3A_153, %iota3A_152 : vector<1x128xi32>
    %shift_right_logical3A_155 = arith.constant 5 : i32
    %shift_right_logical3A_156 = vector.broadcast %shift_right_logical3A_155 : i32 to vector<1x128xi32>
    %shift_right_logical3A_157 = arith.shrui %add3A_154, %shift_right_logical3A_156 : vector<1x128xi32>
    %mul3A_158 = arith.constant 32 : i32
    %mul3A_159 = vector.broadcast %mul3A_158 : i32 to vector<1x128xi32>
    %mul3A_160 = arith.muli %shift_right_logical3A_157, %mul3A_159 : vector<1x128xi32>
    %sub3A_161 = arith.subi %add3A_154, %mul3A_160 : vector<1x128xi32>
    %convert_element_type3A_162 = arith.fptosi %dot_general3A_151 : vector<1x128xf32> to vector<1x128xi32>
    %mul3A_163 = arith.constant 32 : i32
    %mul3A_164 = vector.broadcast %mul3A_163 : i32 to vector<1x128xi32>
    %mul3A_165 = arith.muli %shift_right_logical3A_157, %mul3A_164 : vector<1x128xi32>
    %add3A_166 = arith.constant 1024 : i32
    %add3A_167 = vector.broadcast %add3A_166 : i32 to vector<1x128xi32>
    %add3A_168 = arith.addi %add3A_167, %mul3A_165 : vector<1x128xi32>
    %sub3A_169 = arith.subi %sub3A_161, %convert_element_type3A_162 : vector<1x128xi32>
    %jit3A_170 = arith.constant 0 : i32
    %jit3A_171 = arith.constant 31 : i32
    %max3A_172 = vector.broadcast %jit3A_170 : i32 to vector<1x128xi32>
    %max3A_173 = arith.maxsi %max3A_172, %sub3A_169 : vector<1x128xi32>
    %min3A_174 = vector.broadcast %jit3A_171 : i32 to vector<1x128xi32>
    %min3A_175 = arith.minsi %min3A_174, %max3A_173 : vector<1x128xi32>
    %add3A_176 = arith.addi %add3A_168, %min3A_175 : vector<1x128xi32>
    %lt3A_177 = arith.cmpi slt, %sub3A_161, %convert_element_type3A_162 : vector<1x128xi32>
    %convert_element_type3A_178 = arith.fptosi %dot_general3A_149 : vector<1x128xf32> to vector<1x128xi32>
    %select_n3A_179 = arith.select %lt3A_177, %convert_element_type3A_178, %add3A_176 : vector<1x128xi1>, vector<1x128xi32>
    %swap3A_180 = arith.constant 2 : index
    %swap3A_181 = arith.constant 0 : index
    %swap3A_182 = vector.load %arg3[%swap3A_180, %swap3A_181] : memref<8x128xi32, #tpu.memory_space<vmem>>, vector<1x128xi32>
    tpu.vector_store %arg3[%swap3A_180, %swap3A_181], %select_n3A_179 {strides = array<i32>} : memref<8x128xi32, #tpu.memory_space<vmem>>, vector<1x128xi32>,
    %mul3A_183 = arith.constant 8 : i32
    %mul3A_184 = arith.muli %arg0, %mul3A_183 : i32
    %mul3A_185 = arith.constant 128 : i32
    %mul3A_186 = arith.muli %mul3A_184, %mul3A_185 : i32
    %add3A_187 = arith.constant 384 : i32
    %add3A_188 = arith.addi %mul3A_186, %add3A_187 : i32
    %iota3A_189 = tpu.iota {dimensions = array<i32: 0>} : vector<128x1xi32>
    %add3A_190 = vector.broadcast %add3A_188 : i32 to vector<128x1xi32>
    %add3A_191 = arith.addi %add3A_190, %iota3A_189 : vector<128x1xi32>
    %shift_right_logical3A_192 = arith.constant 5 : i32
    %shift_right_logical3A_193 = vector.broadcast %shift_right_logical3A_192 : i32 to vector<128x1xi32>
    %shift_right_logical3A_194 = arith.shrui %add3A_191, %shift_right_logical3A_193 : vector<128x1xi32>
    %mul3A_195 = arith.constant 32 : i32
    %mul3A_196 = vector.broadcast %mul3A_195 : i32 to vector<128x1xi32>
    %mul3A_197 = arith.muli %shift_right_logical3A_194, %mul3A_196 : vector<128x1xi32>
    %sub3A_198 = arith.subi %add3A_191, %mul3A_197 : vector<128x1xi32>
    %eq3A_199 = vector.broadcast %get3A_1 : vector<1x1024xi32> to vector<128x1024xi32>
    %eq3A_200 = vector.broadcast %shift_right_logical3A_194 : vector<128x1xi32> to vector<128x1024xi32>
    %eq3A_201 = arith.cmpi eq, %eq3A_199, %eq3A_200 : vector<128x1024xi32>
    %convert_element_type3A_202 = arith.extui %eq3A_201 : vector<128x1024xi1> to vector<128x1024xi32>
    %convert_element_type3A_203 = arith.sitofp %convert_element_type3A_202 : vector<128x1024xi32> to vector<128x1024xf32>
    %convert_element_type3A_204 = arith.sitofp %sub3A_198 : vector<128x1xi32> to vector<128x1xf32>
    %eq3A_205 = vector.broadcast %get3A_4 : vector<1x1024xf32> to vector<128x1024xf32>
    %eq3A_206 = vector.broadcast %convert_element_type3A_204 : vector<128x1xf32> to vector<128x1024xf32>
    %eq3A_207 = arith.cmpf oeq, %eq3A_205, %eq3A_206 : vector<128x1024xf32>
    %convert_element_type3A_208 = arith.extui %eq3A_207 : vector<128x1024xi1> to vector<128x1024xi32>
    %convert_element_type3A_209 = arith.sitofp %convert_element_type3A_208 : vector<128x1024xi32> to vector<128x1024xf32>
    %mul3A_210 = arith.mulf %convert_element_type3A_203, %convert_element_type3A_209 : vector<128x1024xf32>
    %dot_general3A_211 = arith.constant dense<0.000000e+00> : vector<1x128xf32>
    %dot_general3A_212 = tpu.matmul %convert_element_type3A, %mul3A_210, %dot_general3A_211 {dimension_numbers = #tpu.dot_dimension_numbers<[1], [1], [0], [0], [0, 0, 1, 0], [], []>, precision = #tpu.contract_precision<fp32>, transpose_lhs_hint = false} : vector<1x1024xf32>, vector<128x1024xf32>, vector<1x128xf32> -> vector<1x128xf32>
    %dot_general3A_213 = arith.constant dense<0.000000e+00> : vector<1x128xf32>
    %dot_general3A_214 = tpu.matmul %broadcast_in_dim3A_5, %convert_element_type3A_203, %dot_general3A_213 {dimension_numbers = #tpu.dot_dimension_numbers<[1], [1], [0], [0], [0, 0, 1, 0], [], []>, precision = #tpu.contract_precision<fp32>, transpose_lhs_hint = false} : vector<1x1024xf32>, vector<128x1024xf32>, vector<1x128xf32> -> vector<1x128xf32>
    %iota3A_215 = tpu.iota {dimensions = array<i32: 1>} : vector<1x128xi32>
    %add3A_216 = vector.broadcast %add3A_188 : i32 to vector<1x128xi32>
    %add3A_217 = arith.addi %add3A_216, %iota3A_215 : vector<1x128xi32>
    %shift_right_logical3A_218 = arith.constant 5 : i32
    %shift_right_logical3A_219 = vector.broadcast %shift_right_logical3A_218 : i32 to vector<1x128xi32>
    %shift_right_logical3A_220 = arith.shrui %add3A_217, %shift_right_logical3A_219 : vector<1x128xi32>
    %mul3A_221 = arith.constant 32 : i32
    %mul3A_222 = vector.broadcast %mul3A_221 : i32 to vector<1x128xi32>
    %mul3A_223 = arith.muli %shift_right_logical3A_220, %mul3A_222 : vector<1x128xi32>
    %sub3A_224 = arith.subi %add3A_217, %mul3A_223 : vector<1x128xi32>
    %convert_element_type3A_225 = arith.fptosi %dot_general3A_214 : vector<1x128xf32> to vector<1x128xi32>
    %mul3A_226 = arith.constant 32 : i32
    %mul3A_227 = vector.broadcast %mul3A_226 : i32 to vector<1x128xi32>
    %mul3A_228 = arith.muli %shift_right_logical3A_220, %mul3A_227 : vector<1x128xi32>
    %add3A_229 = arith.constant 1024 : i32
    %add3A_230 = vector.broadcast %add3A_229 : i32 to vector<1x128xi32>
    %add3A_231 = arith.addi %add3A_230, %mul3A_228 : vector<1x128xi32>
    %sub3A_232 = arith.subi %sub3A_224, %convert_element_type3A_225 : vector<1x128xi32>
    %jit3A_233 = arith.constant 0 : i32
    %jit3A_234 = arith.constant 31 : i32
    %max3A_235 = vector.broadcast %jit3A_233 : i32 to vector<1x128xi32>
    %max3A_236 = arith.maxsi %max3A_235, %sub3A_232 : vector<1x128xi32>
    %min3A_237 = vector.broadcast %jit3A_234 : i32 to vector<1x128xi32>
    %min3A_238 = arith.minsi %min3A_237, %max3A_236 : vector<1x128xi32>
    %add3A_239 = arith.addi %add3A_231, %min3A_238 : vector<1x128xi32>
    %lt3A_240 = arith.cmpi slt, %sub3A_224, %convert_element_type3A_225 : vector<1x128xi32>
    %convert_element_type3A_241 = arith.fptosi %dot_general3A_212 : vector<1x128xf32> to vector<1x128xi32>
    %select_n3A_242 = arith.select %lt3A_240, %convert_element_type3A_241, %add3A_239 : vector<1x128xi1>, vector<1x128xi32>
    %swap3A_243 = arith.constant 3 : index
    %swap3A_244 = arith.constant 0 : index
    %swap3A_245 = vector.load %arg3[%swap3A_243, %swap3A_244] : memref<8x128xi32, #tpu.memory_space<vmem>>, vector<1x128xi32>
    tpu.vector_store %arg3[%swap3A_243, %swap3A_244], %select_n3A_242 {strides = array<i32>} : memref<8x128xi32, #tpu.memory_space<vmem>>, vector<1x128xi32>,
    %mul3A_246 = arith.constant 8 : i32
    %mul3A_247 = arith.muli %arg0, %mul3A_246 : i32
    %mul3A_248 = arith.constant 128 : i32
    %mul3A_249 = arith.muli %mul3A_247, %mul3A_248 : i32
    %add3A_250 = arith.constant 512 : i32
    %add3A_251 = arith.addi %mul3A_249, %add3A_250 : i32
    %iota3A_252 = tpu.iota {dimensions = array<i32: 0>} : vector<128x1xi32>
    %add3A_253 = vector.broadcast %add3A_251 : i32 to vector<128x1xi32>
    %add3A_254 = arith.addi %add3A_253, %iota3A_252 : vector<128x1xi32>
    %shift_right_logical3A_255 = arith.constant 5 : i32
    %shift_right_logical3A_256 = vector.broadcast %shift_right_logical3A_255 : i32 to vector<128x1xi32>
    %shift_right_logical3A_257 = arith.shrui %add3A_254, %shift_right_logical3A_256 : vector<128x1xi32>
    %mul3A_258 = arith.constant 32 : i32
    %mul3A_259 = vector.broadcast %mul3A_258 : i32 to vector<128x1xi32>
    %mul3A_260 = arith.muli %shift_right_logical3A_257, %mul3A_259 : vector<128x1xi32>
    %sub3A_261 = arith.subi %add3A_254, %mul3A_260 : vector<128x1xi32>
    %eq3A_262 = vector.broadcast %get3A_1 : vector<1x1024xi32> to vector<128x1024xi32>
    %eq3A_263 = vector.broadcast %shift_right_logical3A_257 : vector<128x1xi32> to vector<128x1024xi32>
    %eq3A_264 = arith.cmpi eq, %eq3A_262, %eq3A_263 : vector<128x1024xi32>
    %convert_element_type3A_265 = arith.extui %eq3A_264 : vector<128x1024xi1> to vector<128x1024xi32>
    %convert_element_type3A_266 = arith.sitofp %convert_element_type3A_265 : vector<128x1024xi32> to vector<128x1024xf32>
    %convert_element_type3A_267 = arith.sitofp %sub3A_261 : vector<128x1xi32> to vector<128x1xf32>
    %eq3A_268 = vector.broadcast %get3A_4 : vector<1x1024xf32> to vector<128x1024xf32>
    %eq3A_269 = vector.broadcast %convert_element_type3A_267 : vector<128x1xf32> to vector<128x1024xf32>
    %eq3A_270 = arith.cmpf oeq, %eq3A_268, %eq3A_269 : vector<128x1024xf32>
    %convert_element_type3A_271 = arith.extui %eq3A_270 : vector<128x1024xi1> to vector<128x1024xi32>
    %convert_element_type3A_272 = arith.sitofp %convert_element_type3A_271 : vector<128x1024xi32> to vector<128x1024xf32>
    %mul3A_273 = arith.mulf %convert_element_type3A_266, %convert_element_type3A_272 : vector<128x1024xf32>
    %dot_general3A_274 = arith.constant dense<0.000000e+00> : vector<1x128xf32>
    %dot_general3A_275 = tpu.matmul %convert_element_type3A, %mul3A_273, %dot_general3A_274 {dimension_numbers = #tpu.dot_dimension_numbers<[1], [1], [0], [0], [0, 0, 1, 0], [], []>, precision = #tpu.contract_precision<fp32>, transpose_lhs_hint = false} : vector<1x1024xf32>, vector<128x1024xf32>, vector<1x128xf32> -> vector<1x128xf32>
    %dot_general3A_276 = arith.constant dense<0.000000e+00> : vector<1x128xf32>
    %dot_general3A_277 = tpu.matmul %broadcast_in_dim3A_5, %convert_element_type3A_266, %dot_general3A_276 {dimension_numbers = #tpu.dot_dimension_numbers<[1], [1], [0], [0], [0, 0, 1, 0], [], []>, precision = #tpu.contract_precision<fp32>, transpose_lhs_hint = false} : vector<1x1024xf32>, vector<128x1024xf32>, vector<1x128xf32> -> vector<1x128xf32>
    %iota3A_278 = tpu.iota {dimensions = array<i32: 1>} : vector<1x128xi32>
    %add3A_279 = vector.broadcast %add3A_251 : i32 to vector<1x128xi32>
    %add3A_280 = arith.addi %add3A_279, %iota3A_278 : vector<1x128xi32>
    %shift_right_logical3A_281 = arith.constant 5 : i32
    %shift_right_logical3A_282 = vector.broadcast %shift_right_logical3A_281 : i32 to vector<1x128xi32>
    %shift_right_logical3A_283 = arith.shrui %add3A_280, %shift_right_logical3A_282 : vector<1x128xi32>
    %mul3A_284 = arith.constant 32 : i32
    %mul3A_285 = vector.broadcast %mul3A_284 : i32 to vector<1x128xi32>
    %mul3A_286 = arith.muli %shift_right_logical3A_283, %mul3A_285 : vector<1x128xi32>
    %sub3A_287 = arith.subi %add3A_280, %mul3A_286 : vector<1x128xi32>
    %convert_element_type3A_288 = arith.fptosi %dot_general3A_277 : vector<1x128xf32> to vector<1x128xi32>
    %mul3A_289 = arith.constant 32 : i32
    %mul3A_290 = vector.broadcast %mul3A_289 : i32 to vector<1x128xi32>
    %mul3A_291 = arith.muli %shift_right_logical3A_283, %mul3A_290 : vector<1x128xi32>
    %add3A_292 = arith.constant 1024 : i32
    %add3A_293 = vector.broadcast %add3A_292 : i32 to vector<1x128xi32>
    %add3A_294 = arith.addi %add3A_293, %mul3A_291 : vector<1x128xi32>
    %sub3A_295 = arith.subi %sub3A_287, %convert_element_type3A_288 : vector<1x128xi32>
    %jit3A_296 = arith.constant 0 : i32
    %jit3A_297 = arith.constant 31 : i32
    %max3A_298 = vector.broadcast %jit3A_296 : i32 to vector<1x128xi32>
    %max3A_299 = arith.maxsi %max3A_298, %sub3A_295 : vector<1x128xi32>
    %min3A_300 = vector.broadcast %jit3A_297 : i32 to vector<1x128xi32>
    %min3A_301 = arith.minsi %min3A_300, %max3A_299 : vector<1x128xi32>
    %add3A_302 = arith.addi %add3A_294, %min3A_301 : vector<1x128xi32>
    %lt3A_303 = arith.cmpi slt, %sub3A_287, %convert_element_type3A_288 : vector<1x128xi32>
    %convert_element_type3A_304 = arith.fptosi %dot_general3A_275 : vector<1x128xf32> to vector<1x128xi32>
    %select_n3A_305 = arith.select %lt3A_303, %convert_element_type3A_304, %add3A_302 : vector<1x128xi1>, vector<1x128xi32>
    %swap3A_306 = arith.constant 4 : index
    %swap3A_307 = arith.constant 0 : index
    %swap3A_308 = vector.load %arg3[%swap3A_306, %swap3A_307] : memref<8x128xi32, #tpu.memory_space<vmem>>, vector<1x128xi32>
    tpu.vector_store %arg3[%swap3A_306, %swap3A_307], %select_n3A_305 {strides = array<i32>} : memref<8x128xi32, #tpu.memory_space<vmem>>, vector<1x128xi32>,
    %mul3A_309 = arith.constant 8 : i32
    %mul3A_310 = arith.muli %arg0, %mul3A_309 : i32
    %mul3A_311 = arith.constant 128 : i32
    %mul3A_312 = arith.muli %mul3A_310, %mul3A_311 : i32
    %add3A_313 = arith.constant 640 : i32
    %add3A_314 = arith.addi %mul3A_312, %add3A_313 : i32
    %iota3A_315 = tpu.iota {dimensions = array<i32: 0>} : vector<128x1xi32>
    %add3A_316 = vector.broadcast %add3A_314 : i32 to vector<128x1xi32>
    %add3A_317 = arith.addi %add3A_316, %iota3A_315 : vector<128x1xi32>
    %shift_right_logical3A_318 = arith.constant 5 : i32
    %shift_right_logical3A_319 = vector.broadcast %shift_right_logical3A_318 : i32 to vector<128x1xi32>
    %shift_right_logical3A_320 = arith.shrui %add3A_317, %shift_right_logical3A_319 : vector<128x1xi32>
    %mul3A_321 = arith.constant 32 : i32
    %mul3A_322 = vector.broadcast %mul3A_321 : i32 to vector<128x1xi32>
    %mul3A_323 = arith.muli %shift_right_logical3A_320, %mul3A_322 : vector<128x1xi32>
    %sub3A_324 = arith.subi %add3A_317, %mul3A_323 : vector<128x1xi32>
    %eq3A_325 = vector.broadcast %get3A_1 : vector<1x1024xi32> to vector<128x1024xi32>
    %eq3A_326 = vector.broadcast %shift_right_logical3A_320 : vector<128x1xi32> to vector<128x1024xi32>
    %eq3A_327 = arith.cmpi eq, %eq3A_325, %eq3A_326 : vector<128x1024xi32>
    %convert_element_type3A_328 = arith.extui %eq3A_327 : vector<128x1024xi1> to vector<128x1024xi32>
    %convert_element_type3A_329 = arith.sitofp %convert_element_type3A_328 : vector<128x1024xi32> to vector<128x1024xf32>
    %convert_element_type3A_330 = arith.sitofp %sub3A_324 : vector<128x1xi32> to vector<128x1xf32>
    %eq3A_331 = vector.broadcast %get3A_4 : vector<1x1024xf32> to vector<128x1024xf32>
    %eq3A_332 = vector.broadcast %convert_element_type3A_330 : vector<128x1xf32> to vector<128x1024xf32>
    %eq3A_333 = arith.cmpf oeq, %eq3A_331, %eq3A_332 : vector<128x1024xf32>
    %convert_element_type3A_334 = arith.extui %eq3A_333 : vector<128x1024xi1> to vector<128x1024xi32>
    %convert_element_type3A_335 = arith.sitofp %convert_element_type3A_334 : vector<128x1024xi32> to vector<128x1024xf32>
    %mul3A_336 = arith.mulf %convert_element_type3A_329, %convert_element_type3A_335 : vector<128x1024xf32>
    %dot_general3A_337 = arith.constant dense<0.000000e+00> : vector<1x128xf32>
    %dot_general3A_338 = tpu.matmul %convert_element_type3A, %mul3A_336, %dot_general3A_337 {dimension_numbers = #tpu.dot_dimension_numbers<[1], [1], [0], [0], [0, 0, 1, 0], [], []>, precision = #tpu.contract_precision<fp32>, transpose_lhs_hint = false} : vector<1x1024xf32>, vector<128x1024xf32>, vector<1x128xf32> -> vector<1x128xf32>
    %dot_general3A_339 = arith.constant dense<0.000000e+00> : vector<1x128xf32>
    %dot_general3A_340 = tpu.matmul %broadcast_in_dim3A_5, %convert_element_type3A_329, %dot_general3A_339 {dimension_numbers = #tpu.dot_dimension_numbers<[1], [1], [0], [0], [0, 0, 1, 0], [], []>, precision = #tpu.contract_precision<fp32>, transpose_lhs_hint = false} : vector<1x1024xf32>, vector<128x1024xf32>, vector<1x128xf32> -> vector<1x128xf32>
    %iota3A_341 = tpu.iota {dimensions = array<i32: 1>} : vector<1x128xi32>
    %add3A_342 = vector.broadcast %add3A_314 : i32 to vector<1x128xi32>
    %add3A_343 = arith.addi %add3A_342, %iota3A_341 : vector<1x128xi32>
    %shift_right_logical3A_344 = arith.constant 5 : i32
    %shift_right_logical3A_345 = vector.broadcast %shift_right_logical3A_344 : i32 to vector<1x128xi32>
    %shift_right_logical3A_346 = arith.shrui %add3A_343, %shift_right_logical3A_345 : vector<1x128xi32>
    %mul3A_347 = arith.constant 32 : i32
    %mul3A_348 = vector.broadcast %mul3A_347 : i32 to vector<1x128xi32>
    %mul3A_349 = arith.muli %shift_right_logical3A_346, %mul3A_348 : vector<1x128xi32>
    %sub3A_350 = arith.subi %add3A_343, %mul3A_349 : vector<1x128xi32>
    %convert_element_type3A_351 = arith.fptosi %dot_general3A_340 : vector<1x128xf32> to vector<1x128xi32>
    %mul3A_352 = arith.constant 32 : i32
    %mul3A_353 = vector.broadcast %mul3A_352 : i32 to vector<1x128xi32>
    %mul3A_354 = arith.muli %shift_right_logical3A_346, %mul3A_353 : vector<1x128xi32>
    %add3A_355 = arith.constant 1024 : i32
    %add3A_356 = vector.broadcast %add3A_355 : i32 to vector<1x128xi32>
    %add3A_357 = arith.addi %add3A_356, %mul3A_354 : vector<1x128xi32>
    %sub3A_358 = arith.subi %sub3A_350, %convert_element_type3A_351 : vector<1x128xi32>
    %jit3A_359 = arith.constant 0 : i32
    %jit3A_360 = arith.constant 31 : i32
    %max3A_361 = vector.broadcast %jit3A_359 : i32 to vector<1x128xi32>
    %max3A_362 = arith.maxsi %max3A_361, %sub3A_358 : vector<1x128xi32>
    %min3A_363 = vector.broadcast %jit3A_360 : i32 to vector<1x128xi32>
    %min3A_364 = arith.minsi %min3A_363, %max3A_362 : vector<1x128xi32>
    %add3A_365 = arith.addi %add3A_357, %min3A_364 : vector<1x128xi32>
    %lt3A_366 = arith.cmpi slt, %sub3A_350, %convert_element_type3A_351 : vector<1x128xi32>
    %convert_element_type3A_367 = arith.fptosi %dot_general3A_338 : vector<1x128xf32> to vector<1x128xi32>
    %select_n3A_368 = arith.select %lt3A_366, %convert_element_type3A_367, %add3A_365 : vector<1x128xi1>, vector<1x128xi32>
    %swap3A_369 = arith.constant 5 : index
    %swap3A_370 = arith.constant 0 : index
    %swap3A_371 = vector.load %arg3[%swap3A_369, %swap3A_370] : memref<8x128xi32, #tpu.memory_space<vmem>>, vector<1x128xi32>
    tpu.vector_store %arg3[%swap3A_369, %swap3A_370], %select_n3A_368 {strides = array<i32>} : memref<8x128xi32, #tpu.memory_space<vmem>>, vector<1x128xi32>,
    %mul3A_372 = arith.constant 8 : i32
    %mul3A_373 = arith.muli %arg0, %mul3A_372 : i32
    %mul3A_374 = arith.constant 128 : i32
    %mul3A_375 = arith.muli %mul3A_373, %mul3A_374 : i32
    %add3A_376 = arith.constant 768 : i32
    %add3A_377 = arith.addi %mul3A_375, %add3A_376 : i32
    %iota3A_378 = tpu.iota {dimensions = array<i32: 0>} : vector<128x1xi32>
    %add3A_379 = vector.broadcast %add3A_377 : i32 to vector<128x1xi32>
    %add3A_380 = arith.addi %add3A_379, %iota3A_378 : vector<128x1xi32>
    %shift_right_logical3A_381 = arith.constant 5 : i32
    %shift_right_logical3A_382 = vector.broadcast %shift_right_logical3A_381 : i32 to vector<128x1xi32>
    %shift_right_logical3A_383 = arith.shrui %add3A_380, %shift_right_logical3A_382 : vector<128x1xi32>
    %mul3A_384 = arith.constant 32 : i32
    %mul3A_385 = vector.broadcast %mul3A_384 : i32 to vector<128x1xi32>
    %mul3A_386 = arith.muli %shift_right_logical3A_383, %mul3A_385 : vector<128x1xi32>
    %sub3A_387 = arith.subi %add3A_380, %mul3A_386 : vector<128x1xi32>
    %eq3A_388 = vector.broadcast %get3A_1 : vector<1x1024xi32> to vector<128x1024xi32>
    %eq3A_389 = vector.broadcast %shift_right_logical3A_383 : vector<128x1xi32> to vector<128x1024xi32>
    %eq3A_390 = arith.cmpi eq, %eq3A_388, %eq3A_389 : vector<128x1024xi32>
    %convert_element_type3A_391 = arith.extui %eq3A_390 : vector<128x1024xi1> to vector<128x1024xi32>
    %convert_element_type3A_392 = arith.sitofp %convert_element_type3A_391 : vector<128x1024xi32> to vector<128x1024xf32>
    %convert_element_type3A_393 = arith.sitofp %sub3A_387 : vector<128x1xi32> to vector<128x1xf32>
    %eq3A_394 = vector.broadcast %get3A_4 : vector<1x1024xf32> to vector<128x1024xf32>
    %eq3A_395 = vector.broadcast %convert_element_type3A_393 : vector<128x1xf32> to vector<128x1024xf32>
    %eq3A_396 = arith.cmpf oeq, %eq3A_394, %eq3A_395 : vector<128x1024xf32>
    %convert_element_type3A_397 = arith.extui %eq3A_396 : vector<128x1024xi1> to vector<128x1024xi32>
    %convert_element_type3A_398 = arith.sitofp %convert_element_type3A_397 : vector<128x1024xi32> to vector<128x1024xf32>
    %mul3A_399 = arith.mulf %convert_element_type3A_392, %convert_element_type3A_398 : vector<128x1024xf32>
    %dot_general3A_400 = arith.constant dense<0.000000e+00> : vector<1x128xf32>
    %dot_general3A_401 = tpu.matmul %convert_element_type3A, %mul3A_399, %dot_general3A_400 {dimension_numbers = #tpu.dot_dimension_numbers<[1], [1], [0], [0], [0, 0, 1, 0], [], []>, precision = #tpu.contract_precision<fp32>, transpose_lhs_hint = false} : vector<1x1024xf32>, vector<128x1024xf32>, vector<1x128xf32> -> vector<1x128xf32>
    %dot_general3A_402 = arith.constant dense<0.000000e+00> : vector<1x128xf32>
    %dot_general3A_403 = tpu.matmul %broadcast_in_dim3A_5, %convert_element_type3A_392, %dot_general3A_402 {dimension_numbers = #tpu.dot_dimension_numbers<[1], [1], [0], [0], [0, 0, 1, 0], [], []>, precision = #tpu.contract_precision<fp32>, transpose_lhs_hint = false} : vector<1x1024xf32>, vector<128x1024xf32>, vector<1x128xf32> -> vector<1x128xf32>
    %iota3A_404 = tpu.iota {dimensions = array<i32: 1>} : vector<1x128xi32>
    %add3A_405 = vector.broadcast %add3A_377 : i32 to vector<1x128xi32>
    %add3A_406 = arith.addi %add3A_405, %iota3A_404 : vector<1x128xi32>
    %shift_right_logical3A_407 = arith.constant 5 : i32
    %shift_right_logical3A_408 = vector.broadcast %shift_right_logical3A_407 : i32 to vector<1x128xi32>
    %shift_right_logical3A_409 = arith.shrui %add3A_406, %shift_right_logical3A_408 : vector<1x128xi32>
    %mul3A_410 = arith.constant 32 : i32
    %mul3A_411 = vector.broadcast %mul3A_410 : i32 to vector<1x128xi32>
    %mul3A_412 = arith.muli %shift_right_logical3A_409, %mul3A_411 : vector<1x128xi32>
    %sub3A_413 = arith.subi %add3A_406, %mul3A_412 : vector<1x128xi32>
    %convert_element_type3A_414 = arith.fptosi %dot_general3A_403 : vector<1x128xf32> to vector<1x128xi32>
    %mul3A_415 = arith.constant 32 : i32
    %mul3A_416 = vector.broadcast %mul3A_415 : i32 to vector<1x128xi32>
    %mul3A_417 = arith.muli %shift_right_logical3A_409, %mul3A_416 : vector<1x128xi32>
    %add3A_418 = arith.constant 1024 : i32
    %add3A_419 = vector.broadcast %add3A_418 : i32 to vector<1x128xi32>
    %add3A_420 = arith.addi %add3A_419, %mul3A_417 : vector<1x128xi32>
    %sub3A_421 = arith.subi %sub3A_413, %convert_element_type3A_414 : vector<1x128xi32>
    %jit3A_422 = arith.constant 0 : i32
    %jit3A_423 = arith.constant 31 : i32
    %max3A_424 = vector.broadcast %jit3A_422 : i32 to vector<1x128xi32>
    %max3A_425 = arith.maxsi %max3A_424, %sub3A_421 : vector<1x128xi32>
    %min3A_426 = vector.broadcast %jit3A_423 : i32 to vector<1x128xi32>
    %min3A_427 = arith.minsi %min3A_426, %max3A_425 : vector<1x128xi32>
    %add3A_428 = arith.addi %add3A_420, %min3A_427 : vector<1x128xi32>
    %lt3A_429 = arith.cmpi slt, %sub3A_413, %convert_element_type3A_414 : vector<1x128xi32>
    %convert_element_type3A_430 = arith.fptosi %dot_general3A_401 : vector<1x128xf32> to vector<1x128xi32>
    %select_n3A_431 = arith.select %lt3A_429, %convert_element_type3A_430, %add3A_428 : vector<1x128xi1>, vector<1x128xi32>
    %swap3A_432 = arith.constant 6 : index
    %swap3A_433 = arith.constant 0 : index
    %swap3A_434 = vector.load %arg3[%swap3A_432, %swap3A_433] : memref<8x128xi32, #tpu.memory_space<vmem>>, vector<1x128xi32>
    tpu.vector_store %arg3[%swap3A_432, %swap3A_433], %select_n3A_431 {strides = array<i32>} : memref<8x128xi32, #tpu.memory_space<vmem>>, vector<1x128xi32>,
    %mul3A_435 = arith.constant 8 : i32
    %mul3A_436 = arith.muli %arg0, %mul3A_435 : i32
    %mul3A_437 = arith.constant 128 : i32
    %mul3A_438 = arith.muli %mul3A_436, %mul3A_437 : i32
    %add3A_439 = arith.constant 896 : i32
    %add3A_440 = arith.addi %mul3A_438, %add3A_439 : i32
    %iota3A_441 = tpu.iota {dimensions = array<i32: 0>} : vector<128x1xi32>
    %add3A_442 = vector.broadcast %add3A_440 : i32 to vector<128x1xi32>
    %add3A_443 = arith.addi %add3A_442, %iota3A_441 : vector<128x1xi32>
    %shift_right_logical3A_444 = arith.constant 5 : i32
    %shift_right_logical3A_445 = vector.broadcast %shift_right_logical3A_444 : i32 to vector<128x1xi32>
    %shift_right_logical3A_446 = arith.shrui %add3A_443, %shift_right_logical3A_445 : vector<128x1xi32>
    %mul3A_447 = arith.constant 32 : i32
    %mul3A_448 = vector.broadcast %mul3A_447 : i32 to vector<128x1xi32>
    %mul3A_449 = arith.muli %shift_right_logical3A_446, %mul3A_448 : vector<128x1xi32>
    %sub3A_450 = arith.subi %add3A_443, %mul3A_449 : vector<128x1xi32>
    %eq3A_451 = vector.broadcast %get3A_1 : vector<1x1024xi32> to vector<128x1024xi32>
    %eq3A_452 = vector.broadcast %shift_right_logical3A_446 : vector<128x1xi32> to vector<128x1024xi32>
    %eq3A_453 = arith.cmpi eq, %eq3A_451, %eq3A_452 : vector<128x1024xi32>
    %convert_element_type3A_454 = arith.extui %eq3A_453 : vector<128x1024xi1> to vector<128x1024xi32>
    %convert_element_type3A_455 = arith.sitofp %convert_element_type3A_454 : vector<128x1024xi32> to vector<128x1024xf32>
    %convert_element_type3A_456 = arith.sitofp %sub3A_450 : vector<128x1xi32> to vector<128x1xf32>
    %eq3A_457 = vector.broadcast %get3A_4 : vector<1x1024xf32> to vector<128x1024xf32>
    %eq3A_458 = vector.broadcast %convert_element_type3A_456 : vector<128x1xf32> to vector<128x1024xf32>
    %eq3A_459 = arith.cmpf oeq, %eq3A_457, %eq3A_458 : vector<128x1024xf32>
    %convert_element_type3A_460 = arith.extui %eq3A_459 : vector<128x1024xi1> to vector<128x1024xi32>
    %convert_element_type3A_461 = arith.sitofp %convert_element_type3A_460 : vector<128x1024xi32> to vector<128x1024xf32>
    %mul3A_462 = arith.mulf %convert_element_type3A_455, %convert_element_type3A_461 : vector<128x1024xf32>
    %dot_general3A_463 = arith.constant dense<0.000000e+00> : vector<1x128xf32>
    %dot_general3A_464 = tpu.matmul %convert_element_type3A, %mul3A_462, %dot_general3A_463 {dimension_numbers = #tpu.dot_dimension_numbers<[1], [1], [0], [0], [0, 0, 1, 0], [], []>, precision = #tpu.contract_precision<fp32>, transpose_lhs_hint = false} : vector<1x1024xf32>, vector<128x1024xf32>, vector<1x128xf32> -> vector<1x128xf32>
    %dot_general3A_465 = arith.constant dense<0.000000e+00> : vector<1x128xf32>
    %dot_general3A_466 = tpu.matmul %broadcast_in_dim3A_5, %convert_element_type3A_455, %dot_general3A_465 {dimension_numbers = #tpu.dot_dimension_numbers<[1], [1], [0], [0], [0, 0, 1, 0], [], []>, precision = #tpu.contract_precision<fp32>, transpose_lhs_hint = false} : vector<1x1024xf32>, vector<128x1024xf32>, vector<1x128xf32> -> vector<1x128xf32>
    %iota3A_467 = tpu.iota {dimensions = array<i32: 1>} : vector<1x128xi32>
    %add3A_468 = vector.broadcast %add3A_440 : i32 to vector<1x128xi32>
    %add3A_469 = arith.addi %add3A_468, %iota3A_467 : vector<1x128xi32>
    %shift_right_logical3A_470 = arith.constant 5 : i32
    %shift_right_logical3A_471 = vector.broadcast %shift_right_logical3A_470 : i32 to vector<1x128xi32>
    %shift_right_logical3A_472 = arith.shrui %add3A_469, %shift_right_logical3A_471 : vector<1x128xi32>
    %mul3A_473 = arith.constant 32 : i32
    %mul3A_474 = vector.broadcast %mul3A_473 : i32 to vector<1x128xi32>
    %mul3A_475 = arith.muli %shift_right_logical3A_472, %mul3A_474 : vector<1x128xi32>
    %sub3A_476 = arith.subi %add3A_469, %mul3A_475 : vector<1x128xi32>
    %convert_element_type3A_477 = arith.fptosi %dot_general3A_466 : vector<1x128xf32> to vector<1x128xi32>
    %mul3A_478 = arith.constant 32 : i32
    %mul3A_479 = vector.broadcast %mul3A_478 : i32 to vector<1x128xi32>
    %mul3A_480 = arith.muli %shift_right_logical3A_472, %mul3A_479 : vector<1x128xi32>
    %add3A_481 = arith.constant 1024 : i32
    %add3A_482 = vector.broadcast %add3A_481 : i32 to vector<1x128xi32>
    %add3A_483 = arith.addi %add3A_482, %mul3A_480 : vector<1x128xi32>
    %sub3A_484 = arith.subi %sub3A_476, %convert_element_type3A_477 : vector<1x128xi32>
    %jit3A_485 = arith.constant 0 : i32
    %jit3A_486 = arith.constant 31 : i32
    %max3A_487 = vector.broadcast %jit3A_485 : i32 to vector<1x128xi32>
    %max3A_488 = arith.maxsi %max3A_487, %sub3A_484 : vector<1x128xi32>
    %min3A_489 = vector.broadcast %jit3A_486 : i32 to vector<1x128xi32>
    %min3A_490 = arith.minsi %min3A_489, %max3A_488 : vector<1x128xi32>
    %add3A_491 = arith.addi %add3A_483, %min3A_490 : vector<1x128xi32>
    %lt3A_492 = arith.cmpi slt, %sub3A_476, %convert_element_type3A_477 : vector<1x128xi32>
    %convert_element_type3A_493 = arith.fptosi %dot_general3A_464 : vector<1x128xf32> to vector<1x128xi32>
    %select_n3A_494 = arith.select %lt3A_492, %convert_element_type3A_493, %add3A_491 : vector<1x128xi1>, vector<1x128xi32>
    %swap3A_495 = arith.constant 7 : index
    %swap3A_496 = arith.constant 0 : index
    %swap3A_497 = vector.load %arg3[%swap3A_495, %swap3A_496] : memref<8x128xi32, #tpu.memory_space<vmem>>, vector<1x128xi32>
    tpu.vector_store %arg3[%swap3A_495, %swap3A_496], %select_n3A_494 {strides = array<i32>} : memref<8x128xi32, #tpu.memory_space<vmem>>, vector<1x128xi32>,
    return
  }
  func.func @transform_0(%arg0: i32) -> (i32, i32) {
    %c0_i32 = arith.constant 0 : i32
    %c0_i32_0 = arith.constant 0 : i32
    %c0_i32_1 = arith.constant 0 : i32
    return %c0_i32, %c0_i32_0 : i32, i32
  }
  func.func @transform_1(%arg0: i32) -> (i32, i32) {
    %c0_i32 = arith.constant 0 : i32
    %c0_i32_0 = arith.constant 0 : i32
    %c0_i32_1 = arith.constant 0 : i32
    return %c0_i32, %c0_i32_0 : i32, i32
  }
  func.func @transform_2(%arg0: i32) -> (i32, i32) {
    %c0_i32 = arith.constant 0 : i32
    %c0_i32_0 = arith.constant 0 : i32
    return %arg0, %c0_i32 : i32, i32
  }
}

module attributes {stable_mosaic.version = 14 : i64} {
  func.func @body(%arg0: i32, %arg1: memref<8x1024xi32, #tpu.memory_space<vmem>>, %arg2: memref<1024x128xi32, #tpu.memory_space<vmem>>, %arg3: memref<8x1024xf32, #tpu.memory_space<vmem>>) attributes {dimension_semantics = [#tpu.dimension_semantics<arbitrary>], iteration_bounds = array<i64: 1>, scalar_prefetch = 0 : i64, scratch_operands = 0 : i64, tpu.core_type = #tpu.core_type<tc>, window_params = [{pipeline_mode = #tpu.pipeline_mode<synchronous>, transform_indices = @transform_0, window_bounds = array<i64: 8, 1024>}, {pipeline_mode = #tpu.pipeline_mode<synchronous>, transform_indices = @transform_1, window_bounds = array<i64: 1024, 128>}, {pipeline_mode = #tpu.pipeline_mode<synchronous>, transform_indices = @transform_2, window_bounds = array<i64: 8, 1024>}]} {
    %get3A = arith.constant 0 : index
    %get3A_0 = arith.constant 0 : index
    %get3A_1 = vector.load %arg1[%get3A, %get3A_0] : memref<8x1024xi32, #tpu.memory_space<vmem>>, vector<1x1024xi32>
    %get3A_2 = arith.constant 0 : index
    %get3A_3 = arith.constant 0 : index
    %get3A_4 = vector.load %arg2[%get3A_2, %get3A_3] : memref<1024x128xi32, #tpu.memory_space<vmem>>, vector<1024x1xi32>
    %iota3A = tpu.iota {dimensions = array<i32: 0>} : vector<1024x1024xi32>
    %iota3A_5 = tpu.iota {dimensions = array<i32: 1>} : vector<1024x1024xi32>
    %lt3A = arith.cmpi slt, %iota3A, %iota3A_5 : vector<1024x1024xi32>
    %eq3A = vector.broadcast %get3A_4 : vector<1024x1xi32> to vector<1024x1024xi32>
    %eq3A_6 = vector.broadcast %get3A_1 : vector<1x1024xi32> to vector<1024x1024xi32>
    %eq3A_7 = arith.cmpi eq, %eq3A, %eq3A_6 : vector<1024x1024xi32>
    %and3A = arith.andi %lt3A, %eq3A_7 : vector<1024x1024xi1>
    %jit3A = arith.constant 1.000000e+00 : f32
    %jit3A_8 = arith.constant 0.000000e+00 : f32
    %broadcast_in_dim3A = vector.broadcast %jit3A : f32 to vector<1024x1024xf32>
    %broadcast_in_dim3A_9 = vector.broadcast %jit3A_8 : f32 to vector<1024x1024xf32>
    %select_n3A = arith.select %and3A, %broadcast_in_dim3A, %broadcast_in_dim3A_9 : vector<1024x1024xi1>, vector<1024x1024xf32>
    %reduce_sum3A = arith.constant dense<0.000000e+00> : vector<1024xf32>
    %reduce_sum3A_10 = vector.multi_reduction <add>, %select_n3A, %reduce_sum3A [0] : vector<1024x1024xf32> to vector<1024xf32>
    %broadcast_in_dim3A_11 = vector.shape_cast %reduce_sum3A_10 : vector<1024xf32> to vector<1x1024xf32>
    %broadcast_in_dim3A_12 = vector.shape_cast %broadcast_in_dim3A_11 : vector<1x1024xf32> to vector<1x1024xf32>
    %broadcast_in_dim3A_13 = vector.broadcast %broadcast_in_dim3A_12 : vector<1x1024xf32> to vector<8x1024xf32>
    %swap3A = arith.constant 0 : index
    %swap3A_14 = arith.constant 0 : index
    %swap3A_15 = vector.load %arg3[%swap3A, %swap3A_14] : memref<8x1024xf32, #tpu.memory_space<vmem>>, vector<8x1024xf32>
    tpu.vector_store %arg3[%swap3A, %swap3A_14], %broadcast_in_dim3A_13 {strides = array<i32>} : memref<8x1024xf32, #tpu.memory_space<vmem>>, vector<8x1024xf32>,
    return
  }
  func.func @transform_0(%arg0: i32) -> (i32, i32) {
    %c0_i32 = arith.constant 0 : i32
    %c0_i32_0 = arith.constant 0 : i32
    %c0_i32_1 = arith.constant 0 : i32
    return %c0_i32, %c0_i32_0 : i32, i32
  }
  func.func @transform_1(%arg0: i32) -> (i32, i32) {
    %c0_i32 = arith.constant 0 : i32
    %c0_i32_0 = arith.constant 0 : i32
    %c0_i32_1 = arith.constant 0 : i32
    return %c0_i32, %c0_i32_0 : i32, i32
  }
  func.func @transform_2(%arg0: i32) -> (i32, i32) {
    %c0_i32 = arith.constant 0 : i32
    %c0_i32_0 = arith.constant 0 : i32
    %c0_i32_1 = arith.constant 0 : i32
    return %c0_i32, %c0_i32_0 : i32, i32
  }
}

module attributes {stable_mosaic.version = 14 : i64} {
  func.func @body(%arg0: i32, %arg1: memref<1024x1024xf32, #tpu.memory_space<vmem>>, %arg2: memref<1024x1024xf32, #tpu.memory_space<vmem>>, %arg3: memref<8x1024xi32, #tpu.memory_space<vmem>>, %arg4: memref<1024x1024xf32, #tpu.memory_space<vmem>>) attributes {dimension_semantics = [#tpu.dimension_semantics<arbitrary>], iteration_bounds = array<i64: 8>, scalar_prefetch = 0 : i64, scratch_operands = 0 : i64, tpu.core_type = #tpu.core_type<tc>, window_params = [{transform_indices = @transform_0, window_bounds = array<i64: 1024, 1024>}, {pipeline_mode = #tpu.pipeline_mode<synchronous>, transform_indices = @transform_1, window_bounds = array<i64: 1024, 1024>}, {pipeline_mode = #tpu.pipeline_mode<synchronous>, transform_indices = @transform_2, window_bounds = array<i64: 8, 1024>}, {transform_indices = @transform_3, window_bounds = array<i64: 1024, 1024>}]} {
    %get3A = arith.constant 0 : index
    %get3A_0 = arith.constant 0 : index
    %get3A_1 = vector.load %arg1[%get3A, %get3A_0] : memref<1024x1024xf32, #tpu.memory_space<vmem>>, vector<1024x1024xf32>
    %get3A_2 = arith.constant 0 : index
    %get3A_3 = arith.constant 0 : index
    %get3A_4 = vector.load %arg2[%get3A_2, %get3A_3] : memref<1024x1024xf32, #tpu.memory_space<vmem>>, vector<1024x1024xf32>
    %mul3A = arith.constant 1024 : i32
    %mul3A_5 = arith.muli %arg0, %mul3A : i32
    %iota3A = tpu.iota {dimensions = array<i32: 0>} : vector<1024x1xi32>
    %add3A = vector.broadcast %mul3A_5 : i32 to vector<1024x1xi32>
    %add3A_6 = arith.addi %add3A, %iota3A : vector<1024x1xi32>
    %shift_right_logical3A = arith.constant 5 : i32
    %shift_right_logical3A_7 = vector.broadcast %shift_right_logical3A : i32 to vector<1024x1xi32>
    %shift_right_logical3A_8 = arith.shrui %add3A_6, %shift_right_logical3A_7 : vector<1024x1xi32>
    %get3A_9 = arith.constant 0 : index
    %get3A_10 = arith.constant 0 : index
    %get3A_11 = vector.load %arg3[%get3A_9, %get3A_10] : memref<8x1024xi32, #tpu.memory_space<vmem>>, vector<1x1024xi32>
    %eq3A = vector.broadcast %get3A_11 : vector<1x1024xi32> to vector<1024x1024xi32>
    %eq3A_12 = vector.broadcast %shift_right_logical3A_8 : vector<1024x1xi32> to vector<1024x1024xi32>
    %eq3A_13 = arith.cmpi eq, %eq3A, %eq3A_12 : vector<1024x1024xi32>
    %convert_element_type3A = arith.extui %eq3A_13 : vector<1024x1024xi1> to vector<1024x1024xi32>
    %reduce_sum3A = arith.constant dense<0> : vector<1024xi32>
    %reduce_sum3A_14 = vector.multi_reduction <add>, %convert_element_type3A, %reduce_sum3A [1] : vector<1024x1024xi32> to vector<1024xi32>
    %broadcast_in_dim3A = vector.shape_cast %reduce_sum3A_14 : vector<1024xi32> to vector<1024x1xi32>
    %dot_general3A = arith.constant dense<0.000000e+00> : vector<1024x1024xf32>
    %dot_general3A_15 = tpu.matmul %get3A_1, %get3A_4, %dot_general3A {dimension_numbers = #tpu.dot_dimension_numbers<[1], [1], [0], [0], [0, 0, 1, 0], [], []>, transpose_lhs_hint = false} : vector<1024x1024xf32>, vector<1024x1024xf32>, vector<1024x1024xf32> -> vector<1024x1024xf32>
    %reduce_min3A = arith.constant dense<0x7F800000> : vector<1024xf32>
    %reduce_min3A_16 = vector.multi_reduction <minimumf>, %dot_general3A_15, %reduce_min3A [1] : vector<1024x1024xf32> to vector<1024xf32>
    %broadcast_in_dim3A_17 = vector.shape_cast %reduce_min3A_16 : vector<1024xf32> to vector<1024x1xf32>
    %iota3A_18 = tpu.iota {dimensions = array<i32: 1>} : vector<1024x1024xi32>
    %eq3A_19 = vector.broadcast %broadcast_in_dim3A_17 : vector<1024x1xf32> to vector<1024x1024xf32>
    %eq3A_20 = arith.cmpf oeq, %dot_general3A_15, %eq3A_19 : vector<1024x1024xf32>
    %jit3A = arith.constant 1024 : i32
    %broadcast_in_dim3A_21 = vector.broadcast %jit3A : i32 to vector<1024x1024xi32>
    %select_n3A = arith.select %eq3A_20, %iota3A_18, %broadcast_in_dim3A_21 : vector<1024x1024xi1>, vector<1024x1024xi32>
    %reduce_min3A_22 = arith.constant dense<2147483647> : vector<1024xi32>
    %reduce_min3A_23 = vector.multi_reduction <minsi>, %select_n3A, %reduce_min3A_22 [1] : vector<1024x1024xi32> to vector<1024xi32>
    %broadcast_in_dim3A_24 = vector.shape_cast %reduce_min3A_23 : vector<1024xi32> to vector<1024x1xi32>
    %eq3A_25 = vector.broadcast %broadcast_in_dim3A_24 : vector<1024x1xi32> to vector<1024x1024xi32>
    %eq3A_26 = arith.cmpi eq, %iota3A_18, %eq3A_25 : vector<1024x1024xi32>
    %convert_element_type3A_27 = arith.extui %eq3A_26 : vector<1024x1024xi1> to vector<1024x1024xi32>
    %convert_element_type3A_28 = arith.sitofp %convert_element_type3A_27 : vector<1024x1024xi32> to vector<1024x1024xf32>
    %dot_general3A_29 = arith.constant dense<0.000000e+00> : vector<1024x1024xf32>
    %dot_general3A_30 = tpu.matmul %convert_element_type3A_28, %get3A_4, %dot_general3A_29 {dimension_numbers = #tpu.dot_dimension_numbers<[1], [0], [0], [1], [0, 0, 1, 1], [], []>, transpose_lhs_hint = false} : vector<1024x1024xf32>, vector<1024x1024xf32>, vector<1024x1024xf32> -> vector<1024x1024xf32>
    %mul3A_31 = arith.constant 9.900000e-01 : f32
    %mul3A_32 = vector.broadcast %mul3A_31 : f32 to vector<1024x1024xf32>
    %mul3A_33 = arith.mulf %mul3A_32, %get3A_1 : vector<1024x1024xf32>
    %mul3A_34 = arith.constant 0.00999999977 : f32
    %mul3A_35 = vector.broadcast %mul3A_34 : f32 to vector<1024x1024xf32>
    %mul3A_36 = arith.mulf %mul3A_35, %dot_general3A_30 : vector<1024x1024xf32>
    %add3A_37 = arith.addf %mul3A_33, %mul3A_36 : vector<1024x1024xf32>
    %gt3A = arith.constant 0 : i32
    %gt3A_38 = vector.broadcast %gt3A : i32 to vector<1024x1xi32>
    %gt3A_39 = arith.cmpi sgt, %broadcast_in_dim3A, %gt3A_38 : vector<1024x1xi32>
    %broadcast_in_dim3A_40 = vector.shape_cast %gt3A_39 : vector<1024x1xi1> to vector<1024x1xi1>
    %broadcast_in_dim3A_41 = vector.broadcast %broadcast_in_dim3A_40 : vector<1024x1xi1> to vector<1024x1024xi1>
    %select_n3A_42 = arith.select %broadcast_in_dim3A_41, %add3A_37, %get3A_1 : vector<1024x1024xi1>, vector<1024x1024xf32>
    %swap3A = arith.constant 0 : index
    %swap3A_43 = arith.constant 0 : index
    %swap3A_44 = vector.load %arg4[%swap3A, %swap3A_43] : memref<1024x1024xf32, #tpu.memory_space<vmem>>, vector<1024x1024xf32>
    tpu.vector_store %arg4[%swap3A, %swap3A_43], %select_n3A_42 {strides = array<i32>} : memref<1024x1024xf32, #tpu.memory_space<vmem>>, vector<1024x1024xf32>,
    return
  }
  func.func @transform_0(%arg0: i32) -> (i32, i32) {
    %c0_i32 = arith.constant 0 : i32
    %c0_i32_0 = arith.constant 0 : i32
    return %arg0, %c0_i32 : i32, i32
  }
  func.func @transform_1(%arg0: i32) -> (i32, i32) {
    %c0_i32 = arith.constant 0 : i32
    %c0_i32_0 = arith.constant 0 : i32
    %c0_i32_1 = arith.constant 0 : i32
    return %c0_i32, %c0_i32_0 : i32, i32
  }
  func.func @transform_2(%arg0: i32) -> (i32, i32) {
    %c0_i32 = arith.constant 0 : i32
    %c0_i32_0 = arith.constant 0 : i32
    %c0_i32_1 = arith.constant 0 : i32
    return %c0_i32, %c0_i32_0 : i32, i32
  }
  func.func @transform_3(%arg0: i32) -> (i32, i32) {
    %c0_i32 = arith.constant 0 : i32
    %c0_i32_0 = arith.constant 0 : i32
    return %arg0, %c0_i32 : i32, i32
  }
}

</mosaic_0001>

<sc_bundles>
// kernel: kernel.6.cloned.1.call-start
scs
__scs_entry_jumppad:
0x0: {  	(pc) =	sbr.rel $0x88, $3  }
0x1: {  	(tag) =	ssettag $0x0;
	lr =	simm.s32 $0x1  }
0x2: {  	[smem:$0x3F9D] =	sst lr;
	_ =	strace $0xD0000000  }
0x3: {  	_ = 	snop  }
0x4: {  	_ = 	snop  }
0x5: {  	_ = 	snop  }
0x6: {  	_ = 	snop  }
0x7: {  	_ = 	snop  }
__scs_overlays_trampoline_lowered:
0x8: {  	[smem:$0x3FAC] =	sst s0  }
0x9: {  	[smem:$0x3FAD] =	sst s1  }
0xa: {  	[smem:$0x3FAE] =	sst s2  }
0xb: {  	[smem:$0x3FAF] =	sst s3  }
0xc: {  	[smem:$0x3FB0] =	sst s4  }
0xd: {  	[smem:$0x3FB1] =	sst s5  }
0xe: {  	[smem:$0x3FB2] =	sst s6  }
0xf: {  	[smem:$0x3FB3] =	sst s7  }
0x10: {  	[smem:$0x3FB4] =	sst s8  }
0x11: {  	[smem:$0x3FB5] =	sst s9;
	s0 =	simm.s32 @!p0 $0x0  }
0x12: {  	s1 =	sld [smem:$0x3F9B];
	s0 =	simm.s32 @p0 $0x1  }
0x13: {  	[smem:$0x3FB6] =	sst s0;
	s0 =	simm.s32 @!p1 $0x0  }
0x14: {  	s2 =	sld [smem:$0x3F9A];
	s0 =	simm.s32 @p1 $0x1  }
0x15: {  	[smem:$0x3FB7] =	sst s0;
	s0 =	simm.s32 @!p2 $0x0  }
0x16: {  	s3 =	sld [smem:$0x3FDB];
	s0 =	simm.s32 @p2 $0x1  }
0x17: {  	s4 =	simm.s32 $0x1BF5;
	[smem:$0x3FB9] =	sst s0  }
0x18: {  	s0 =	sld [smem:$0x3F9C];
	_ =	swait.ge [sflag:s4], $0x0  }
0x19: {  	s7 =	sld [smem:$0x3F9D]  }
0x1a: {  	s8 =	sadd.s32 $0xFFFFE003, lr  }
0x1b: {  	s9 =	sadd.s32 $0xFFFFFEF7, lr;
	s5 =	simm.s32 $0xFFFFFFFF;
	p2 =	slt.u32 s8, $0xFFFFF086  }
0x1c: {  	p1 =	slt.u32 s9, $0xF7A;
	s5 =	simm.s32 @!p2 $0x0  }
0x1d: {  	s5 =	simm.s32 @p1 $0x1;
	p0 =	seq.s32 s7, s2  }
0x1e: {  	s7 =	smul.u32 @!p0 $0xF7A, s2;
	p2 =	seq.s32 @!p0 s5, $0x0  }
0x1f: {  	s9 =	smul.u32 $0xF7A, s1;
	s8 =	simm.s32 @!p0 $0x1BF5;
	p2 =	por !p2, p0  }
0x20: {  	[sflag:s8] =	ssyncset.s32 @!p0 $0xFFFFF086;
	s6 =	sadd.s32 @!p0 s3, s7;
	s7 =	simm.s32 @!p0 $0x108  }
0x21: {  	s3 =	sadd.s32 s3, s9;
	s6 =	sadd.s32 @!p0 $0x88, s6;
	s7 =	simm.s32 @p2 $0x1082  }
0x22: {  	[simem:s7], [sflag:s8] =	dma.local @!p0 [hbm:s6], $0xF7A  }
0x23: {  	s9 =	sor.u32 $0xD0000000, s2;
	s6 =	simm.s32 $0x108;
	_ =	swait.ge @!p0 [sflag:s8], $0x0  }
0x24: {  	s3 =	sadd.s32 $0x88, s3;
	s6 =	simm.s32 @!p1 $0x1082;
	[sflag:s4] =	ssyncset.s32 $0xFFFFF086  }
0x25: {  	[simem:s6], [sflag:s4] =	dma.local [hbm:s3], $0xF7A  }
0x26: {  	[smem:$0x3F9D] =	sst s1;
	(tag) =	ssettag s2;
	_ =	strace s9  }
0x27: {  	s1 =	sld [smem:$0x3FAD]  }
0x28: {  	s2 =	sld [smem:$0x3FAE]  }
0x29: {  	s4 =	sld [smem:$0x3FB0]  }
0x2a: {  	p0 =	seq.s32 s5, $0x0;
	s5 =	sld [smem:$0x3FB1]  }
0x2b: {  	s6 =	sld [smem:$0x3FB2]  }
0x2c: {  	s7 =	sld [smem:$0x3FB3]  }
0x2d: {  	s3 =	simm.s32 $0x108;
	s8 =	sld [smem:$0x3FB4]  }
0x2e: {  	s3 =	simm.s32 @!p0 $0x1082;
	s9 =	sld [smem:$0x3FB5]  }
0x2f: {  	lr =	sadd.s32 s0, s3;
	s0 =	sld [smem:$0x3FAC]  }
0x30: {  	s3 =	sld [smem:$0x3FAF]  }
0x31: {  	[smem:$0x3FB8] =	sst s10  }
0x32: {  	s10 =	sld [smem:$0x3FB6];
	_ =	sdelay $0x3  }
0x33: {  	p0 =	seq.s32 s10, $0x1;
	s10 =	sld [smem:$0x3FB8];
	_ =	sdelay $0x3  }
0x34: {  	[smem:$0x3FB8] =	sst s10  }
0x35: {  	s10 =	sld [smem:$0x3FB7];
	_ =	sdelay $0x3  }
0x36: {  	p1 =	seq.s32 s10, $0x1;
	s10 =	sld [smem:$0x3FB8];
	_ =	sdelay $0x3  }
0x37: {  	[smem:$0x3FB8] =	sst s10  }
0x38: {  	s10 =	sld [smem:$0x3FB9]  }
0x39: {  	_ = 	snop;
	(pc) =	sbr.ind lr, $3  }
0x3a: {  	_ = 	snop  }
0x3b: {  	_ = 	snop  }
0x3c: {  	p2 =	seq.s32 s10, $0x1;
	s10 =	sld [smem:$0x3FB8]  }
0x3d: {  	_ =	shalt  }
0x3e: {  	_ =	shalt  }
0x3f: {  	_ =	shalt  }
0x40: {  	_ =	shalt  }
0x41: {  	_ =	shalt  }
0x42: {  	_ =	shalt  }
0x43: {  	_ =	shalt  }
0x44: {  	_ =	shalt  }
0x45: {  	_ =	shalt  }
0x46: {  	_ =	shalt  }
0x47: {  	_ =	shalt  }
0x48: {  	_ =	shalt  }
0x49: {  	_ =	shalt  }
0x4a: {  	_ =	shalt  }
0x4b: {  	_ =	shalt  }
0x4c: {  	_ =	shalt  }
0x4d: {  	_ =	shalt  }
0x4e: {  	_ =	shalt  }
0x4f: {  	_ =	shalt  }
0x50: {  	_ =	shalt  }
0x51: {  	_ =	shalt  }
0x52: {  	_ =	shalt  }
0x53: {  	_ =	shalt  }
0x54: {  	_ =	shalt  }
0x55: {  	_ =	shalt  }
0x56: {  	_ =	shalt  }
0x57: {  	_ =	shalt  }
0x58: {  	_ =	shalt  }
0x59: {  	_ =	shalt  }
0x5a: {  	_ =	shalt  }
0x5b: {  	_ =	shalt  }
0x5c: {  	_ =	shalt  }
0x5d: {  	_ =	shalt  }
0x5e: {  	_ =	shalt  }
0x5f: {  	_ =	shalt  }
0x60: {  	_ =	shalt  }
0x61: {  	_ =	shalt  }
0x62: {  	_ =	shalt  }
0x63: {  	_ =	shalt  }
0x64: {  	_ =	shalt  }
0x65: {  	_ =	shalt  }
0x66: {  	_ =	shalt  }
0x67: {  	_ =	shalt  }
0x68: {  	_ =	shalt  }
0x69: {  	_ =	shalt  }
0x6a: {  	_ =	shalt  }
0x6b: {  	_ =	shalt  }
0x6c: {  	_ =	shalt  }
0x6d: {  	_ =	shalt  }
0x6e: {  	_ =	shalt  }
0x6f: {  	_ =	shalt  }
0x70: {  	_ =	shalt  }
0x71: {  	_ =	shalt  }
0x72: {  	_ =	shalt  }
0x73: {  	_ =	shalt  }
0x74: {  	_ =	shalt  }
0x75: {  	_ =	shalt  }
0x76: {  	_ =	shalt  }
0x77: {  	_ =	shalt  }
0x78: {  	_ =	shalt  }
0x79: {  	_ =	shalt  }
0x7a: {  	_ =	shalt  }
0x7b: {  	_ =	shalt  }
0x7c: {  	_ =	shalt  }
0x7d: {  	_ =	shalt  }
0x7e: {  	_ =	shalt  }
0x7f: {  	_ =	shalt  }
0x80: {  	_ =	shalt  }
0x81: {  	_ =	shalt  }
0x82: {  	_ =	shalt  }
0x83: {  	_ =	shalt  }
0x84: {  	_ =	shalt  }
0x85: {  	_ =	shalt  }
0x86: {  	_ =	shalt  }
0x87: {  	_ =	shalt  }
.Lfunc_end0:
.L_simem_size_0:
called_computation_lowered:
.L_overlay_start_0:
0x88: {  	s2 =	sld [smem:$0x3FD9]  }
0x89: {  	s3 =	sld [smem:$0x3FFE];
	_ =	sdelay $0x1  }
0x8a: {  	s1 =	srdreg.scid  }
0x8b: {  	s0 =	sand.u32 $0x1, s1  }
0x8c: {  	s17 =	sshll.u32 s0, $0xA;
	s2 =	sadd.s32 s3, s2  }
0x8d: {  	s2 =	sadd.s32 s2, s17  }
0x8e: {  	[smem:$0x3FC4] =	sst s2  }
0x8f: {  	_ = 	snop  }
0x90: {  	s2 =	sld [smem:$0x3FD0];
	(tm) =	ssettm $0x1  }
0x91: {  	s18 =	sld [smem:$0x3FFB];
	_ =	sdelay $0x3  }
0x92: {  	_ =	strace s18  }
0x93: {  	s3 =	sld [smem:$0x3FFC];
	_ =	sdelay $0x3  }
0x94: {  	_ =	strace s3  }
0x95: {  	s3 =	sld [smem:$0x3FFD];
	_ =	sdelay $0x3  }
0x96: {  	_ =	strace s3  }
0x97: {  	_ =	strace $0x8FFFFFFF  }
0x98: {  	s19 =	sld [smem:$0x3FDB];
	_ =	sdelay $0x1  }
0x99: {  	s4 =	simm.s32 $_scs_section_size  }
0x9a: {  	s5 =	simm.s32 $_size__tile_overlayer_lowered;
	s6 =	simm.s32 $_tile_overlayer_lowered  }
0x9b: {  	s22 =	simm.s32 $0x1BFF;
	s21 =	sshll.u32 s6, $0x1;
	s3 =	sadd.s32 s4, s19  }
0x9c: {  	s7 =	simm.s32 $0x0;
	s20 =	sshll.u32 s5, $0x1;
	s5 =	sadd.s32 s21, s3  }
0x9d: {  	[timem:s7], [sflag:s22] =	dma.local [hbm:s5], s20  }
0x9e: {  	_ =	swait.ge [sflag:s22], s20  }
0x9f: {  	s4 =	ssub.s32 $0x0, s20;
	[sflag:s22] =	ssyncset.done $0x0  }
0xa0: {  	[sflag:s22] =	ssyncadd.s32 s4;
	_ =	sdelay $0x1  }
0xa1: {  	s23 =	simm.s32 $0x1B8B  }
0xa2: {  	_ =	swait.ge [sflag:s23], $0x1  }
0xa3: {  	[sflag:s23] =	ssyncset.done $0x0  }
0xa4: {  	s25 =	simm.s32 $0x1B8E;
	s24 =	sld [smem:$0x3FFE];
	[sflag:s23] =	ssyncadd.s32 $0xFFFFFFFF  }
0xa5: {  	s26 =	simm.s32 $execute0_lowered;
	[smem:$0x3FD2] =	sst s25  }
0xa6: {  	s5 =	sshll.u32 s26, $0x1;
	_ =	strace $0x80000046;
	[dreg:$0x1] =	wrdreg $0xFFFFFFFF  }
0xa7: {  	s28 =	simm.s32 $_size_execute0_lowered;
	s3 =	sadd.s32 s3, s5;
	[dreg:$0x0] =	wrdreg $0x0  }
0xa8: {  	s5 =	sshll.u32 s28, $0x1;
	[dreg:$0x2] =	wrdreg s3  }
0xa9: {  	[dreg:$0x3] =	wrdreg s5  }
0xaa: {  	[dreg:$0x4] =	wrdreg $0xC0  }
0xab: {  	_ =	task [dreg:s7], $0x5FFFF  }
0xac: {  	[dreg:$0x1] =	wrdreg $0xFFFFFFFF  }
0xad: {  	[dreg:$0x0] =	wrdreg $0x60  }
0xae: {  	[dreg:$0x2] =	wrdreg s24  }
0xaf: {  	[dreg:$0x3] =	wrdreg s2  }
0xb0: {  	[dreg:$0x4] =	wrdreg $0x9  }
0xb1: {  	_ =	task.clear_ibuf [dreg:s7], $0x5FFFF;
	_ =	strace $0x90000046  }
0xb2: {  	s29 =	simm.s32 $0x9;
	_ =	strace $0x80000048  }
0xb3: {  	_ =	swait.ge [sflag:s29], $0x1  }
0xb4: {  	[sflag:s29] =	ssyncadd.s32 $0xFFFFFFFF  }
0xb5: {  	_ =	strace $0x90000048  }
0xb6: {  	_ =	sfence  }
0xb7: {  	s30 =	sld [smem:$0x0];
	_ =	sdelay $0x2  }
0xb8: {  	s31 =	sshll.u32 s1, $0xD;
	s1 =	sshrl.u32 s1, $0x2  }
0xb9: {  	s3 =	sand.u32 $0x4000, s31;
	s1 =	sadd.s32 s1, s30  }
0xba: {  	s0 =	sor.u32 s3, s0;
	s1 =	sshll.u32 s1, $0x11  }
0xbb: {  	s0 =	sor.u32 s1, s0  }
0xbc: {  	s0 =	sadd.s32 $0x8F2B, s0  }
0xbd: {  	[sflag:s0] =	ssyncadd.remote.s32 $0x1  }
0xbe: {  	_ =	sfence.sel $0xFFFF  }
0xbf: {  	[dreg:$0x0] =	wrdreg $0xFFFFFFFF;
	(pc) =	sbr.abs _section_cstart, $3  }
0xc0: {  	[dreg:$0x1] =	wrdreg $0xFFFFFFFF  }
0xc1: {  	_ =	task.clear_ibuf [dreg:s7], $0x2FFFF;
	_ =	strace $0x9FFFFFFF  }
0xc2: {  	(tm) =	ssettm $0x7FFFFFFF  }
0xc3: {  	_ =	shalt  }
tec
execute0_lowered:
.L_overlay_start_1:
0x0: {  	(tag) =	ssettag $0x1  }
0x1: {  	s0 =	srdreg.scid;
	s1 =	rddreg [dreg:$0x0]  }
0x2: {  	s2 =	stileid.u32;
	s3 =	rddreg [dreg:$0x1];
	s8 =	simm.s32 $0x3  }
0x3: {  	s9 =	simm.s32 $0x100;
	s18 =	simm.s32 $0x1;
	s19 =	simm.s32 $0x2  }
0x4: {  	s28 =	simm.s32 $0x3100;
	s29 =	simm.s32 $0x3900;
	s30 =	simm.s32 $0x4100  }
0x5: {  	s31 =	simm.s32 $0x4900;
	s16 =	simm.s32 $0x5100;
	s0 =	sand.u32 $0x1, s0  }
0x6: {  	s15 =	simm.s32 $0x5900;
	s4 =	sshll.u32 s2, $0x9;
	s5 =	sshll.u32 s0, $0x8  }
0x7: {  	s11 =	simm.s32 $0x6900;
	s12 =	simm.s32 $0x7100;
	s4 =	sor.u32 s5, s4  }
0x8: {  	s2 =	simm.s32 $0x0;
	s5 =	sshll.u32 s4, $0x7;
	s4 =	sshrl.u32 s4, $0x3  }
0x9: {  	[smem:$0x7FF] =	sst s2;
	s5 =	sadd.s32 s5, s1;
	s3 =	sadd.s32 s3, s4  }
0xa: {  	_ =	strace $0x80000047;
	[dreg:$0x3] =	wrdreg s3;
	s20 =	sadd.s32 $0x120800, s5  }
0xb: {  	s13 =	simm.s32 $0x7900;
	s21 =	sadd.s32 $0x121800, s5;
	[dreg:$0x4] =	wrdreg s20  }
0xc: {  	s0 =	ssub.s32 $0x2, s0;
	s22 =	sadd.s32 $0x122800, s5;
	[dreg:$0x5] =	wrdreg s21  }
0xd: {  	s6 =	sshrl.u32 s0, $0x1;
	s23 =	sadd.s32 $0x123800, s5;
	[dreg:$0x6] =	wrdreg s22  }
0xe: {  	s0 =	ssub.s32 s0, s6;
	s24 =	sadd.s32 $0x124800, s5;
	[dreg:$0x7] =	wrdreg s23  }
0xf: {  	s6 =	sadd.s32 $0xB00, s1;
	s25 =	sadd.s32 $0x125800, s5;
	[dreg:$0x8] =	wrdreg s24  }
0x10: {  	s4 =	sadd.s32 $0x900, s1;
	s26 =	sadd.s32 $0x126800, s5;
	[dreg:$0x9] =	wrdreg s25  }
0x11: {  	s3 =	sadd.s32 $0x800, s1;
	s7 =	sadd.s32 $0x127800, s5;
	[dreg:$0xa] =	wrdreg s26  }
0x12: {  	v2 =	vlaneseq.u32;
	s5 =	sadd.s32 $0xA00, s1;
	[dreg:$0xb] =	wrdreg s7;
	s7 =	smax.u32 s0, $0x1  }
0x13: {  	vm0 =	vmmov $0xffff;
	v1 =	vshrl.u32 v2, $0x3;
	s25 =	simm.s32 $0x8100;
	s21 =	simm.s32 $0x900;
	s22 =	simm.s32 $0x1100  }
0x14: {  	v0 =	vand.u32 $0x7, v2;
	v2 =	vor.u32 $0x8, v2;
	v1 =	vmul.u32 $0x8, v1;
	s23 =	simm.s32 $0x1900;
	s24 =	simm.s32 $0x2100;
	s26 =	simm.s32 $0x2900  }
.LBB2_1:
0x15: {  	s20 =	rddreg [dreg:$0x3]  }
0x16: {  	[tilespmem:s2], [sflag:$0x3] =	stream.linear.gather [hbm4b:s20+s2], $0x100, $0x38;
	[tilespmem:$0x10100] =	vst v63  }
0x17: {  	_ =	swait.ge [sflag:s8], $0x100  }
0x18: {  	[sflag:s8] =	ssyncset.done $0x0  }
0x19: {  	[sflag:s8] =	ssyncadd.s32 $0xFFFFFF00  }
0x1a: {  	v3 =	vld [tilespmem:$0x0];
	_ =	sdelay $0x4  }
0x1b: {  	v4 =	vshll.u32 v3, $0x3  }
0x1c: {  	v3 =	vand.u32 $0x7, v3;
	v4 =	vand.u32 $0xFFFFFFC0, v4  }
0x1d: {  	v3 =	vor.u32 v3, v4  }
0x1e: {  	v4 =	vperm.xlane v3, v0;
	_ =	sdelay $0x1  }
0x1f: {  	v4 =	vadd.s32 v1, v4;
	_ =	sdelay $0x4  }
0x20: {  	[tilespmem:s9], [sflag:$0x1] =	stream.indirect_vreg.gather [hbm4b:s3+s2], $0x80, v4, vm0, $0xb8;
	[tilespmem:$0x10100] =	vst v63  }
0x21: {  	v3 =	vperm.xlane v3, v2  }
0x22: {  	[tilespmem:s21], [sflag:$0x1] =	stream.indirect_vreg.gather [hbm4b:s4+s2], $0x80, v4, vm0, $0xb8;
	[tilespmem:$0x10100] =	vst v63  }
0x23: {  	v3 =	vadd.s32 v1, v3  }
0x24: {  	[tilespmem:s22], [sflag:$0x1] =	stream.indirect_vreg.gather [hbm4b:s5+s2], $0x80, v4, vm0, $0xb8;
	[tilespmem:$0x10100] =	vst v63  }
0x25: {  	_ = 	snop  }
0x26: {  	[tilespmem:s23], [sflag:$0x1] =	stream.indirect_vreg.gather [hbm4b:s6+s2], $0x80, v4, vm0, $0xb8;
	[tilespmem:$0x10100] =	vst v63  }
0x27: {  	_ = 	snop  }
0x28: {  	[tilespmem:s24], [sflag:$0x1] =	stream.indirect_vreg.gather [hbm4b:s3+s2], $0x80, v3, vm0, $0xb8;
	[tilespmem:$0x10100] =	vst v63  }
0x29: {  	_ = 	snop  }
0x2a: {  	[tilespmem:s26], [sflag:$0x1] =	stream.indirect_vreg.gather [hbm4b:s4+s2], $0x80, v3, vm0, $0xb8;
	[tilespmem:$0x10100] =	vst v63  }
0x2b: {  	_ = 	snop  }
0x2c: {  	[tilespmem:s28], [sflag:$0x1] =	stream.indirect_vreg.gather [hbm4b:s5+s2], $0x80, v3, vm0, $0xb8;
	[tilespmem:$0x10100] =	vst v63  }
0x2d: {  	_ = 	snop  }
0x2e: {  	[tilespmem:s29], [sflag:$0x1] =	stream.indirect_vreg.gather [hbm4b:s6+s2], $0x80, v3, vm0, $0xb8;
	[tilespmem:$0x10100] =	vst v63  }
0x2f: {  	v3 =	vld [tilespmem:$0x10];
	_ =	sdelay $0x4  }
0x30: {  	v49 =	vshll.u32 v3, $0x3  }
0x31: {  	v3 =	vand.u32 $0x7, v3;
	v4 =	vand.u32 $0xFFFFFFC0, v49  }
0x32: {  	v3 =	vor.u32 v3, v4  }
0x33: {  	v4 =	vperm.xlane v3, v0;
	_ =	sdelay $0x1  }
0x34: {  	v4 =	vadd.s32 v1, v4;
	_ =	sdelay $0x4  }
0x35: {  	[tilespmem:s30], [sflag:$0x1] =	stream.indirect_vreg.gather [hbm4b:s3+s2], $0x80, v4, vm0, $0xb8;
	[tilespmem:$0x10100] =	vst v63  }
0x36: {  	v3 =	vperm.xlane v3, v2  }
0x37: {  	[tilespmem:s31], [sflag:$0x1] =	stream.indirect_vreg.gather [hbm4b:s4+s2], $0x80, v4, vm0, $0xb8;
	[tilespmem:$0x10100] =	vst v63  }
0x38: {  	v3 =	vadd.s32 v1, v3  }
0x39: {  	[tilespmem:s16], [sflag:$0x1] =	stream.indirect_vreg.gather [hbm4b:s5+s2], $0x80, v4, vm0, $0xb8;
	[tilespmem:$0x10100] =	vst v63  }
0x3a: {  	_ = 	snop  }
0x3b: {  	[tilespmem:s15], [sflag:$0x1] =	stream.indirect_vreg.gather [hbm4b:s6+s2], $0x80, v4, vm0, $0xb8;
	[tilespmem:$0x10100] =	vst v63  }
0x3c: {  	s10 =	simm.s32 $0x6100  }
0x3d: {  	[tilespmem:s10], [sflag:$0x1] =	stream.indirect_vreg.gather [hbm4b:s3+s2], $0x80, v3, vm0, $0xb8;
	[tilespmem:$0x10100] =	vst v63  }
0x3e: {  	_ = 	snop  }
0x3f: {  	[tilespmem:s11], [sflag:$0x1] =	stream.indirect_vreg.gather [hbm4b:s4+s2], $0x80, v3, vm0, $0xb8;
	[tilespmem:$0x10100] =	vst v63  }
0x40: {  	_ = 	snop  }
0x41: {  	[tilespmem:s12], [sflag:$0x1] =	stream.indirect_vreg.gather [hbm4b:s5+s2], $0x80, v3, vm0, $0xb8;
	[tilespmem:$0x10100] =	vst v63  }
0x42: {  	_ = 	snop  }
0x43: {  	[tilespmem:s13], [sflag:$0x1] =	stream.indirect_vreg.gather [hbm4b:s6+s2], $0x80, v3, vm0, $0xb8;
	[tilespmem:$0x10100] =	vst v63  }
0x44: {  	v3 =	vld [tilespmem:$0x20];
	_ =	sdelay $0x4  }
0x45: {  	v50 =	vshll.u32 v3, $0x3  }
0x46: {  	v3 =	vand.u32 $0x7, v3;
	v4 =	vand.u32 $0xFFFFFFC0, v50  }
0x47: {  	v3 =	vor.u32 v3, v4  }
0x48: {  	v4 =	vperm.xlane v3, v0;
	_ =	sdelay $0x1  }
0x49: {  	v4 =	vadd.s32 v1, v4;
	_ =	sdelay $0x4  }
0x4a: {  	[tilespmem:s25], [sflag:$0x2] =	stream.indirect_vreg.gather [hbm4b:s3+s2], $0x80, v4, vm0, $0xb8;
	[tilespmem:$0x10100] =	vst v63  }
0x4b: {  	s14 =	simm.s32 $0x8900;
	v3 =	vperm.xlane v3, v2  }
0x4c: {  	[tilespmem:s14], [sflag:$0x2] =	stream.indirect_vreg.gather [hbm4b:s4+s2], $0x80, v4, vm0, $0xb8;
	[tilespmem:$0x10100] =	vst v63  }
0x4d: {  	s17 =	simm.s32 $0x9100;
	v3 =	vadd.s32 v1, v3  }
0x4e: {  	[tilespmem:s17], [sflag:$0x2] =	stream.indirect_vreg.gather [hbm4b:s5+s2], $0x80, v4, vm0, $0xb8;
	[tilespmem:$0x10100] =	vst v63  }
0x4f: {  	s20 =	simm.s32 $0x9900  }
0x50: {  	[tilespmem:s20], [sflag:$0x2] =	stream.indirect_vreg.gather [hbm4b:s6+s2], $0x80, v4, vm0, $0xb8;
	[tilespmem:$0x10100] =	vst v63  }
0x51: {  	s1 =	simm.s32 $0xA100  }
0x52: {  	[tilespmem:s1], [sflag:$0x2] =	stream.indirect_vreg.gather [hbm4b:s3+s2], $0x80, v3, vm0, $0xb8;
	[tilespmem:$0x10100] =	vst v63  }
0x53: {  	s17 =	simm.s32 $0xA900  }
0x54: {  	[tilespmem:s17], [sflag:$0x2] =	stream.indirect_vreg.gather [hbm4b:s4+s2], $0x80, v3, vm0, $0xb8;
	[tilespmem:$0x10100] =	vst v63  }
0x55: {  	s1 =	simm.s32 $0xB100  }
0x56: {  	[tilespmem:s1], [sflag:$0x2] =	stream.indirect_vreg.gather [hbm4b:s5+s2], $0x80, v3, vm0, $0xb8;
	[tilespmem:$0x10100] =	vst v63  }
0x57: {  	s14 =	simm.s32 $0xB900  }
0x58: {  	[tilespmem:s14], [sflag:$0x2] =	stream.indirect_vreg.gather [hbm4b:s6+s2], $0x80, v3, vm0, $0xb8;
	[tilespmem:$0x10100] =	vst v63  }
0x59: {  	v3 =	vld [tilespmem:$0x30];
	_ =	sdelay $0x4  }
0x5a: {  	v51 =	vshll.u32 v3, $0x3  }
0x5b: {  	v3 =	vand.u32 $0x7, v3;
	v4 =	vand.u32 $0xFFFFFFC0, v51  }
0x5c: {  	v3 =	vor.u32 v3, v4  }
0x5d: {  	v4 =	vperm.xlane v3, v0;
	_ =	sdelay $0x1  }
0x5e: {  	v4 =	vadd.s32 v1, v4;
	_ =	sdelay $0x3  }
0x5f: {  	s17 =	simm.s32 $0xC100  }
0x60: {  	[tilespmem:s17], [sflag:$0x2] =	stream.indirect_vreg.gather [hbm4b:s3+s2], $0x80, v4, vm0, $0xb8;
	[tilespmem:$0x10100] =	vst v63  }
0x61: {  	s1 =	simm.s32 $0xC900;
	v3 =	vperm.xlane v3, v2  }
0x62: {  	[tilespmem:s1], [sflag:$0x2] =	stream.indirect_vreg.gather [hbm4b:s4+s2], $0x80, v4, vm0, $0xb8;
	[tilespmem:$0x10100] =	vst v63  }
0x63: {  	v3 =	vadd.s32 v1, v3;
	s1 =	simm.s32 $0xD100  }
0x64: {  	[tilespmem:s1], [sflag:$0x2] =	stream.indirect_vreg.gather [hbm4b:s5+s2], $0x80, v4, vm0, $0xb8;
	[tilespmem:$0x10100] =	vst v63  }
0x65: {  	s1 =	simm.s32 $0xD900  }
0x66: {  	[tilespmem:s1], [sflag:$0x2] =	stream.indirect_vreg.gather [hbm4b:s6+s2], $0x80, v4, vm0, $0xb8;
	[tilespmem:$0x10100] =	vst v63  }
0x67: {  	s1 =	simm.s32 $0xE100  }
0x68: {  	[tilespmem:s1], [sflag:$0x2] =	stream.indirect_vreg.gather [hbm4b:s3+s2], $0x80, v3, vm0, $0xb8;
	[tilespmem:$0x10100] =	vst v63  }
0x69: {  	s1 =	simm.s32 $0xE900  }
0x6a: {  	[tilespmem:s1], [sflag:$0x2] =	stream.indirect_vreg.gather [hbm4b:s4+s2], $0x80, v3, vm0, $0xb8;
	[tilespmem:$0x10100] =	vst v63  }
0x6b: {  	s1 =	simm.s32 $0xF100  }
0x6c: {  	[tilespmem:s1], [sflag:$0x2] =	stream.indirect_vreg.gather [hbm4b:s5+s2], $0x80, v3, vm0, $0xb8;
	[tilespmem:$0x10100] =	vst v63  }
0x6d: {  	s1 =	simm.s32 $0xF900  }
0x6e: {  	[tilespmem:s1], [sflag:$0x2] =	stream.indirect_vreg.gather [hbm4b:s6+s2], $0x80, v3, vm0, $0xb8;
	[tilespmem:$0x10100] =	vst v63  }
0x6f: {  	_ =	swait.ge [sflag:s18], $0x8000  }
0x70: {  	[sflag:s18] =	ssyncset.done $0x0  }
0x71: {  	s1 =	rddreg [dreg:$0x4];
	[sflag:s18] =	ssyncadd.s32 $0xFFFF8000  }
0x72: {  	[hbm4b:s1+s2] =	stream.linear.scatter [tilespmem:s9], [sflag:$0x3], $0x8000, $0x38;
	[tilespmem:$0x10100] =	vst v63  }
0x73: {  	_ =	swait.ge [sflag:s8], $0x8000  }
0x74: {  	[sflag:s8] =	ssyncset.done $0x0  }
0x75: {  	[sflag:s8] =	ssyncadd.s32 $0xFFFF8000  }
0x76: {  	v3 =	vld [tilespmem:$0x40];
	_ =	sdelay $0x4  }
0x77: {  	v52 =	vshll.u32 v3, $0x3  }
0x78: {  	v3 =	vand.u32 $0x7, v3;
	v4 =	vand.u32 $0xFFFFFFC0, v52  }
0x79: {  	v3 =	vor.u32 v3, v4  }
0x7a: {  	v4 =	vperm.xlane v3, v0;
	_ =	sdelay $0x1  }
0x7b: {  	v4 =	vadd.s32 v1, v4;
	_ =	sdelay $0x4  }
0x7c: {  	[tilespmem:s9], [sflag:$0x1] =	stream.indirect_vreg.gather [hbm4b:s3+s2], $0x80, v4, vm0, $0xb8;
	[tilespmem:$0x10100] =	vst v63  }
0x7d: {  	v3 =	vperm.xlane v3, v2  }
0x7e: {  	[tilespmem:s21], [sflag:$0x1] =	stream.indirect_vreg.gather [hbm4b:s4+s2], $0x80, v4, vm0, $0xb8;
	[tilespmem:$0x10100] =	vst v63  }
0x7f: {  	v3 =	vadd.s32 v1, v3  }
0x80: {  	[tilespmem:s22], [sflag:$0x1] =	stream.indirect_vreg.gather [hbm4b:s5+s2], $0x80, v4, vm0, $0xb8;
	[tilespmem:$0x10100] =	vst v63  }
0x81: {  	_ = 	snop  }
0x82: {  	[tilespmem:s23], [sflag:$0x1] =	stream.indirect_vreg.gather [hbm4b:s6+s2], $0x80, v4, vm0, $0xb8;
	[tilespmem:$0x10100] =	vst v63  }
0x83: {  	_ = 	snop  }
0x84: {  	[tilespmem:s24], [sflag:$0x1] =	stream.indirect_vreg.gather [hbm4b:s3+s2], $0x80, v3, vm0, $0xb8;
	[tilespmem:$0x10100] =	vst v63  }
0x85: {  	_ = 	snop  }
0x86: {  	[tilespmem:s26], [sflag:$0x1] =	stream.indirect_vreg.gather [hbm4b:s4+s2], $0x80, v3, vm0, $0xb8;
	[tilespmem:$0x10100] =	vst v63  }
0x87: {  	_ = 	snop  }
0x88: {  	[tilespmem:s28], [sflag:$0x1] =	stream.indirect_vreg.gather [hbm4b:s5+s2], $0x80, v3, vm0, $0xb8;
	[tilespmem:$0x10100] =	vst v63  }
0x89: {  	_ = 	snop  }
0x8a: {  	[tilespmem:s29], [sflag:$0x1] =	stream.indirect_vreg.gather [hbm4b:s6+s2], $0x80, v3, vm0, $0xb8;
	[tilespmem:$0x10100] =	vst v63  }
0x8b: {  	v3 =	vld [tilespmem:$0x50];
	_ =	sdelay $0x4  }
0x8c: {  	v53 =	vshll.u32 v3, $0x3  }
0x8d: {  	v3 =	vand.u32 $0x7, v3;
	v4 =	vand.u32 $0xFFFFFFC0, v53  }
0x8e: {  	v3 =	vor.u32 v3, v4  }
0x8f: {  	v4 =	vperm.xlane v3, v0;
	_ =	sdelay $0x1  }
0x90: {  	v4 =	vadd.s32 v1, v4;
	_ =	sdelay $0x4  }
0x91: {  	[tilespmem:s30], [sflag:$0x1] =	stream.indirect_vreg.gather [hbm4b:s3+s2], $0x80, v4, vm0, $0xb8;
	[tilespmem:$0x10100] =	vst v63  }
0x92: {  	v3 =	vperm.xlane v3, v2  }
0x93: {  	[tilespmem:s31], [sflag:$0x1] =	stream.indirect_vreg.gather [hbm4b:s4+s2], $0x80, v4, vm0, $0xb8;
	[tilespmem:$0x10100] =	vst v63  }
0x94: {  	v3 =	vadd.s32 v1, v3  }
0x95: {  	[tilespmem:s16], [sflag:$0x1] =	stream.indirect_vreg.gather [hbm4b:s5+s2], $0x80, v4, vm0, $0xb8;
	[tilespmem:$0x10100] =	vst v63  }
0x96: {  	_ = 	snop  }
0x97: {  	[tilespmem:s15], [sflag:$0x1] =	stream.indirect_vreg.gather [hbm4b:s6+s2], $0x80, v4, vm0, $0xb8;
	[tilespmem:$0x10100] =	vst v63  }
0x98: {  	_ = 	snop  }
0x99: {  	[tilespmem:s10], [sflag:$0x1] =	stream.indirect_vreg.gather [hbm4b:s3+s2], $0x80, v3, vm0, $0xb8;
	[tilespmem:$0x10100] =	vst v63  }
0x9a: {  	_ = 	snop  }
0x9b: {  	[tilespmem:s11], [sflag:$0x1] =	stream.indirect_vreg.gather [hbm4b:s4+s2], $0x80, v3, vm0, $0xb8;
	[tilespmem:$0x10100] =	vst v63  }
0x9c: {  	_ = 	snop  }
0x9d: {  	[tilespmem:s12], [sflag:$0x1] =	stream.indirect_vreg.gather [hbm4b:s5+s2], $0x80, v3, vm0, $0xb8;
	[tilespmem:$0x10100] =	vst v63  }
0x9e: {  	_ = 	snop  }
0x9f: {  	[tilespmem:s13], [sflag:$0x1] =	stream.indirect_vreg.gather [hbm4b:s6+s2], $0x80, v3, vm0, $0xb8;
	[tilespmem:$0x10100] =	vst v63  }
0xa0: {  	_ =	swait.ge [sflag:s19], $0x8000  }
0xa1: {  	[sflag:s19] =	ssyncset.done $0x0  }
0xa2: {  	s1 =	rddreg [dreg:$0x5];
	[sflag:s19] =	ssyncadd.s32 $0xFFFF8000  }
0xa3: {  	[hbm4b:s1+s2] =	stream.linear.scatter [tilespmem:s25], [sflag:$0x3], $0x8000, $0x38;
	[tilespmem:$0x10100] =	vst v63  }
0xa4: {  	_ =	swait.ge [sflag:s8], $0x8000  }
0xa5: {  	[sflag:s8] =	ssyncset.done $0x0  }
0xa6: {  	[sflag:s8] =	ssyncadd.s32 $0xFFFF8000  }
0xa7: {  	v3 =	vld [tilespmem:$0x60];
	_ =	sdelay $0x4  }
0xa8: {  	v54 =	vshll.u32 v3, $0x3  }
0xa9: {  	v3 =	vand.u32 $0x7, v3;
	v4 =	vand.u32 $0xFFFFFFC0, v54  }
0xaa: {  	v3 =	vor.u32 v3, v4  }
0xab: {  	v4 =	vperm.xlane v3, v0;
	_ =	sdelay $0x1  }
0xac: {  	v4 =	vadd.s32 v1, v4;
	_ =	sdelay $0x4  }
0xad: {  	[tilespmem:s25], [sflag:$0x2] =	stream.indirect_vreg.gather [hbm4b:s3+s2], $0x80, v4, vm0, $0xb8;
	[tilespmem:$0x10100] =	vst v63  }
0xae: {  	s0 =	simm.s32 $0x8900;
	v3 =	vperm.xlane v3, v2  }
0xaf: {  	[tilespmem:s0], [sflag:$0x2] =	stream.indirect_vreg.gather [hbm4b:s4+s2], $0x80, v4, vm0, $0xb8;
	[tilespmem:$0x10100] =	vst v63  }
0xb0: {  	v3 =	vadd.s32 v1, v3;
	s0 =	simm.s32 $0x9100  }
0xb1: {  	[tilespmem:s0], [sflag:$0x2] =	stream.indirect_vreg.gather [hbm4b:s5+s2], $0x80, v4, vm0, $0xb8;
	[tilespmem:$0x10100] =	vst v63  }
0xb2: {  	s1 =	simm.s32 $0x9900  }
0xb3: {  	[tilespmem:s1], [sflag:$0x2] =	stream.indirect_vreg.gather [hbm4b:s6+s2], $0x80, v4, vm0, $0xb8;
	[tilespmem:$0x10100] =	vst v63  }
0xb4: {  	s20 =	simm.s32 $0xA100  }
0xb5: {  	[tilespmem:s20], [sflag:$0x2] =	stream.indirect_vreg.gather [hbm4b:s3+s2], $0x80, v3, vm0, $0xb8;
	[tilespmem:$0x10100] =	vst v63  }
0xb6: {  	s20 =	simm.s32 $0xA900  }
0xb7: {  	[tilespmem:s20], [sflag:$0x2] =	stream.indirect_vreg.gather [hbm4b:s4+s2], $0x80, v3, vm0, $0xb8;
	[tilespmem:$0x10100] =	vst v63  }
0xb8: {  	s20 =	simm.s32 $0xB100  }
0xb9: {  	[tilespmem:s20], [sflag:$0x2] =	stream.indirect_vreg.gather [hbm4b:s5+s2], $0x80, v3, vm0, $0xb8;
	[tilespmem:$0x10100] =	vst v63  }
0xba: {  	s14 =	simm.s32 $0xB900  }
0xbb: {  	[tilespmem:s14], [sflag:$0x2] =	stream.indirect_vreg.gather [hbm4b:s6+s2], $0x80, v3, vm0, $0xb8;
	[tilespmem:$0x10100] =	vst v63  }
0xbc: {  	v3 =	vld [tilespmem:$0x70];
	_ =	sdelay $0x4  }
0xbd: {  	v55 =	vshll.u32 v3, $0x3  }
0xbe: {  	v3 =	vand.u32 $0x7, v3;
	v4 =	vand.u32 $0xFFFFFFC0, v55  }
0xbf: {  	v3 =	vor.u32 v3, v4  }
0xc0: {  	v4 =	vperm.xlane v3, v0;
	_ =	sdelay $0x1  }
0xc1: {  	v4 =	vadd.s32 v1, v4;
	_ =	sdelay $0x3  }
0xc2: {  	s17 =	simm.s32 $0xC100  }
0xc3: {  	[tilespmem:s17], [sflag:$0x2] =	stream.indirect_vreg.gather [hbm4b:s3+s2], $0x80, v4, vm0, $0xb8;
	[tilespmem:$0x10100] =	vst v63  }
0xc4: {  	s20 =	simm.s32 $0xC900;
	v3 =	vperm.xlane v3, v2  }
0xc5: {  	[tilespmem:s20], [sflag:$0x2] =	stream.indirect_vreg.gather [hbm4b:s4+s2], $0x80, v4, vm0, $0xb8;
	[tilespmem:$0x10100] =	vst v63  }
0xc6: {  	v3 =	vadd.s32 v1, v3;
	s17 =	simm.s32 $0xD100  }
0xc7: {  	[tilespmem:s17], [sflag:$0x2] =	stream.indirect_vreg.gather [hbm4b:s5+s2], $0x80, v4, vm0, $0xb8;
	[tilespmem:$0x10100] =	vst v63  }
0xc8: {  	s20 =	simm.s32 $0xD900  }
0xc9: {  	[tilespmem:s20], [sflag:$0x2] =	stream.indirect_vreg.gather [hbm4b:s6+s2], $0x80, v4, vm0, $0xb8;
	[tilespmem:$0x10100] =	vst v63  }
0xca: {  	s17 =	simm.s32 $0xE100  }
0xcb: {  	[tilespmem:s17], [sflag:$0x2] =	stream.indirect_vreg.gather [hbm4b:s3+s2], $0x80, v3, vm0, $0xb8;
	[tilespmem:$0x10100] =	vst v63  }
0xcc: {  	s20 =	simm.s32 $0xE900  }
0xcd: {  	[tilespmem:s20], [sflag:$0x2] =	stream.indirect_vreg.gather [hbm4b:s4+s2], $0x80, v3, vm0, $0xb8;
	[tilespmem:$0x10100] =	vst v63  }
0xce: {  	s17 =	simm.s32 $0xF100  }
0xcf: {  	[tilespmem:s17], [sflag:$0x2] =	stream.indirect_vreg.gather [hbm4b:s5+s2], $0x80, v3, vm0, $0xb8;
	[tilespmem:$0x10100] =	vst v63  }
0xd0: {  	s20 =	simm.s32 $0xF900  }
0xd1: {  	[tilespmem:s20], [sflag:$0x2] =	stream.indirect_vreg.gather [hbm4b:s6+s2], $0x80, v3, vm0, $0xb8;
	[tilespmem:$0x10100] =	vst v63  }
0xd2: {  	_ =	swait.ge [sflag:s18], $0x8000  }
0xd3: {  	[sflag:s18] =	ssyncset.done $0x0  }
0xd4: {  	s17 =	rddreg [dreg:$0x6];
	[sflag:s18] =	ssyncadd.s32 $0xFFFF8000  }
0xd5: {  	[hbm4b:s17+s2] =	stream.linear.scatter [tilespmem:s9], [sflag:$0x3], $0x8000, $0x38;
	[tilespmem:$0x10100] =	vst v63  }
0xd6: {  	_ =	swait.ge [sflag:s8], $0x8000  }
0xd7: {  	[sflag:s8] =	ssyncset.done $0x0  }
0xd8: {  	[sflag:s8] =	ssyncadd.s32 $0xFFFF8000  }
0xd9: {  	v3 =	vld [tilespmem:$0x80];
	_ =	sdelay $0x4  }
0xda: {  	v56 =	vshll.u32 v3, $0x3  }
0xdb: {  	v3 =	vand.u32 $0x7, v3;
	v4 =	vand.u32 $0xFFFFFFC0, v56  }
0xdc: {  	v3 =	vor.u32 v3, v4  }
0xdd: {  	v4 =	vperm.xlane v3, v0;
	_ =	sdelay $0x1  }
0xde: {  	v4 =	vadd.s32 v1, v4;
	_ =	sdelay $0x4  }
0xdf: {  	[tilespmem:s9], [sflag:$0x1] =	stream.indirect_vreg.gather [hbm4b:s3+s2], $0x80, v4, vm0, $0xb8;
	[tilespmem:$0x10100] =	vst v63  }
0xe0: {  	v3 =	vperm.xlane v3, v2  }
0xe1: {  	[tilespmem:s21], [sflag:$0x1] =	stream.indirect_vreg.gather [hbm4b:s4+s2], $0x80, v4, vm0, $0xb8;
	[tilespmem:$0x10100] =	vst v63  }
0xe2: {  	v3 =	vadd.s32 v1, v3  }
0xe3: {  	[tilespmem:s22], [sflag:$0x1] =	stream.indirect_vreg.gather [hbm4b:s5+s2], $0x80, v4, vm0, $0xb8;
	[tilespmem:$0x10100] =	vst v63  }
0xe4: {  	_ = 	snop  }
0xe5: {  	[tilespmem:s23], [sflag:$0x1] =	stream.indirect_vreg.gather [hbm4b:s6+s2], $0x80, v4, vm0, $0xb8;
	[tilespmem:$0x10100] =	vst v63  }
0xe6: {  	_ = 	snop  }
0xe7: {  	[tilespmem:s24], [sflag:$0x1] =	stream.indirect_vreg.gather [hbm4b:s3+s2], $0x80, v3, vm0, $0xb8;
	[tilespmem:$0x10100] =	vst v63  }
0xe8: {  	_ = 	snop  }
0xe9: {  	[tilespmem:s26], [sflag:$0x1] =	stream.indirect_vreg.gather [hbm4b:s4+s2], $0x80, v3, vm0, $0xb8;
	[tilespmem:$0x10100] =	vst v63  }
0xea: {  	_ = 	snop  }
0xeb: {  	[tilespmem:s28], [sflag:$0x1] =	stream.indirect_vreg.gather [hbm4b:s5+s2], $0x80, v3, vm0, $0xb8;
	[tilespmem:$0x10100] =	vst v63  }
0xec: {  	_ = 	snop  }
0xed: {  	[tilespmem:s29], [sflag:$0x1] =	stream.indirect_vreg.gather [hbm4b:s6+s2], $0x80, v3, vm0, $0xb8;
	[tilespmem:$0x10100] =	vst v63  }
0xee: {  	v3 =	vld [tilespmem:$0x90];
	_ =	sdelay $0x4  }
0xef: {  	v57 =	vshll.u32 v3, $0x3  }
0xf0: {  	v3 =	vand.u32 $0x7, v3;
	v4 =	vand.u32 $0xFFFFFFC0, v57  }
0xf1: {  	v3 =	vor.u32 v3, v4  }
0xf2: {  	v4 =	vperm.xlane v3, v0;
	_ =	sdelay $0x1  }
0xf3: {  	v4 =	vadd.s32 v1, v4;
	_ =	sdelay $0x4  }
0xf4: {  	[tilespmem:s30], [sflag:$0x1] =	stream.indirect_vreg.gather [hbm4b:s3+s2], $0x80, v4, vm0, $0xb8;
	[tilespmem:$0x10100] =	vst v63  }
0xf5: {  	v3 =	vperm.xlane v3, v2  }
0xf6: {  	[tilespmem:s31], [sflag:$0x1] =	stream.indirect_vreg.gather [hbm4b:s4+s2], $0x80, v4, vm0, $0xb8;
	[tilespmem:$0x10100] =	vst v63  }
0xf7: {  	v3 =	vadd.s32 v1, v3  }
0xf8: {  	[tilespmem:s16], [sflag:$0x1] =	stream.indirect_vreg.gather [hbm4b:s5+s2], $0x80, v4, vm0, $0xb8;
	[tilespmem:$0x10100] =	vst v63  }
0xf9: {  	_ = 	snop  }
0xfa: {  	[tilespmem:s15], [sflag:$0x1] =	stream.indirect_vreg.gather [hbm4b:s6+s2], $0x80, v4, vm0, $0xb8;
	[tilespmem:$0x10100] =	vst v63  }
0xfb: {  	_ = 	snop  }
0xfc: {  	[tilespmem:s10], [sflag:$0x1] =	stream.indirect_vreg.gather [hbm4b:s3+s2], $0x80, v3, vm0, $0xb8;
	[tilespmem:$0x10100] =	vst v63  }
0xfd: {  	_ = 	snop  }
0xfe: {  	[tilespmem:s11], [sflag:$0x1] =	stream.indirect_vreg.gather [hbm4b:s4+s2], $0x80, v3, vm0, $0xb8;
	[tilespmem:$0x10100] =	vst v63  }
0xff: {  	_ = 	snop  }
0x100: {  	[tilespmem:s12], [sflag:$0x1] =	stream.indirect_vreg.gather [hbm4b:s5+s2], $0x80, v3, vm0, $0xb8;
	[tilespmem:$0x10100] =	vst v63  }
0x101: {  	_ = 	snop  }
0x102: {  	[tilespmem:s13], [sflag:$0x1] =	stream.indirect_vreg.gather [hbm4b:s6+s2], $0x80, v3, vm0, $0xb8;
	[tilespmem:$0x10100] =	vst v63  }
0x103: {  	_ =	swait.ge [sflag:s19], $0x8000  }
0x104: {  	[sflag:s19] =	ssyncset.done $0x0  }
0x105: {  	s14 =	rddreg [dreg:$0x7];
	[sflag:s19] =	ssyncadd.s32 $0xFFFF8000  }
0x106: {  	[hbm4b:s14+s2] =	stream.linear.scatter [tilespmem:s25], [sflag:$0x3], $0x8000, $0x38;
	[tilespmem:$0x10100] =	vst v63  }
0x107: {  	_ =	swait.ge [sflag:s8], $0x8000  }
0x108: {  	[sflag:s8] =	ssyncset.done $0x0  }
0x109: {  	[sflag:s8] =	ssyncadd.s32 $0xFFFF8000  }
0x10a: {  	v3 =	vld [tilespmem:$0xA0];
	_ =	sdelay $0x4  }
0x10b: {  	v58 =	vshll.u32 v3, $0x3  }
0x10c: {  	v3 =	vand.u32 $0x7, v3;
	v4 =	vand.u32 $0xFFFFFFC0, v58  }
0x10d: {  	v3 =	vor.u32 v3, v4  }
0x10e: {  	v4 =	vperm.xlane v3, v0;
	_ =	sdelay $0x1  }
0x10f: {  	v4 =	vadd.s32 v1, v4;
	_ =	sdelay $0x4  }
0x110: {  	[tilespmem:s25], [sflag:$0x2] =	stream.indirect_vreg.gather [hbm4b:s3+s2], $0x80, v4, vm0, $0xb8;
	[tilespmem:$0x10100] =	vst v63  }
0x111: {  	s17 =	simm.s32 $0x8900;
	v3 =	vperm.xlane v3, v2  }
0x112: {  	[tilespmem:s17], [sflag:$0x2] =	stream.indirect_vreg.gather [hbm4b:s4+s2], $0x80, v4, vm0, $0xb8;
	[tilespmem:$0x10100] =	vst v63  }
0x113: {  	v3 =	vadd.s32 v1, v3  }
0x114: {  	[tilespmem:s0], [sflag:$0x2] =	stream.indirect_vreg.gather [hbm4b:s5+s2], $0x80, v4, vm0, $0xb8;
	[tilespmem:$0x10100] =	vst v63  }
0x115: {  	_ = 	snop  }
0x116: {  	[tilespmem:s1], [sflag:$0x2] =	stream.indirect_vreg.gather [hbm4b:s6+s2], $0x80, v4, vm0, $0xb8;
	[tilespmem:$0x10100] =	vst v63  }
0x117: {  	s20 =	simm.s32 $0xA100  }
0x118: {  	[tilespmem:s20], [sflag:$0x2] =	stream.indirect_vreg.gather [hbm4b:s3+s2], $0x80, v3, vm0, $0xb8;
	[tilespmem:$0x10100] =	vst v63  }
0x119: {  	s17 =	simm.s32 $0xA900  }
0x11a: {  	[tilespmem:s17], [sflag:$0x2] =	stream.indirect_vreg.gather [hbm4b:s4+s2], $0x80, v3, vm0, $0xb8;
	[tilespmem:$0x10100] =	vst v63  }
0x11b: {  	s20 =	simm.s32 $0xB100  }
0x11c: {  	[tilespmem:s20], [sflag:$0x2] =	stream.indirect_vreg.gather [hbm4b:s5+s2], $0x80, v3, vm0, $0xb8;
	[tilespmem:$0x10100] =	vst v63  }
0x11d: {  	s20 =	simm.s32 $0xB900  }
0x11e: {  	[tilespmem:s20], [sflag:$0x2] =	stream.indirect_vreg.gather [hbm4b:s6+s2], $0x80, v3, vm0, $0xb8;
	[tilespmem:$0x10100] =	vst v63  }
0x11f: {  	v3 =	vld [tilespmem:$0xB0];
	_ =	sdelay $0x4  }
0x120: {  	v59 =	vshll.u32 v3, $0x3  }
0x121: {  	v3 =	vand.u32 $0x7, v3;
	v4 =	vand.u32 $0xFFFFFFC0, v59  }
0x122: {  	v3 =	vor.u32 v3, v4  }
0x123: {  	v4 =	vperm.xlane v3, v0;
	_ =	sdelay $0x1  }
0x124: {  	v4 =	vadd.s32 v1, v4;
	_ =	sdelay $0x3  }
0x125: {  	s20 =	simm.s32 $0xC100  }
0x126: {  	[tilespmem:s20], [sflag:$0x2] =	stream.indirect_vreg.gather [hbm4b:s3+s2], $0x80, v4, vm0, $0xb8;
	[tilespmem:$0x10100] =	vst v63  }
0x127: {  	v3 =	vperm.xlane v3, v2;
	s20 =	simm.s32 $0xC900  }
0x128: {  	[tilespmem:s20], [sflag:$0x2] =	stream.indirect_vreg.gather [hbm4b:s4+s2], $0x80, v4, vm0, $0xb8;
	[tilespmem:$0x10100] =	vst v63  }
0x129: {  	v3 =	vadd.s32 v1, v3;
	s20 =	simm.s32 $0xD100  }
0x12a: {  	[tilespmem:s20], [sflag:$0x2] =	stream.indirect_vreg.gather [hbm4b:s5+s2], $0x80, v4, vm0, $0xb8;
	[tilespmem:$0x10100] =	vst v63  }
0x12b: {  	s20 =	simm.s32 $0xD900  }
0x12c: {  	[tilespmem:s20], [sflag:$0x2] =	stream.indirect_vreg.gather [hbm4b:s6+s2], $0x80, v4, vm0, $0xb8;
	[tilespmem:$0x10100] =	vst v63  }
0x12d: {  	s20 =	simm.s32 $0xE100  }
0x12e: {  	[tilespmem:s20], [sflag:$0x2] =	stream.indirect_vreg.gather [hbm4b:s3+s2], $0x80, v3, vm0, $0xb8;
	[tilespmem:$0x10100] =	vst v63  }
0x12f: {  	s20 =	simm.s32 $0xE900  }
0x130: {  	[tilespmem:s20], [sflag:$0x2] =	stream.indirect_vreg.gather [hbm4b:s4+s2], $0x80, v3, vm0, $0xb8;
	[tilespmem:$0x10100] =	vst v63  }
0x131: {  	s20 =	simm.s32 $0xF100  }
0x132: {  	[tilespmem:s20], [sflag:$0x2] =	stream.indirect_vreg.gather [hbm4b:s5+s2], $0x80, v3, vm0, $0xb8;
	[tilespmem:$0x10100] =	vst v63  }
0x133: {  	s20 =	simm.s32 $0xF900  }
0x134: {  	[tilespmem:s20], [sflag:$0x2] =	stream.indirect_vreg.gather [hbm4b:s6+s2], $0x80, v3, vm0, $0xb8;
	[tilespmem:$0x10100] =	vst v63  }
0x135: {  	_ =	swait.ge [sflag:s18], $0x8000  }
0x136: {  	[sflag:s18] =	ssyncset.done $0x0  }
0x137: {  	s20 =	rddreg [dreg:$0x8];
	[sflag:s18] =	ssyncadd.s32 $0xFFFF8000  }
0x138: {  	[hbm4b:s20+s2] =	stream.linear.scatter [tilespmem:s9], [sflag:$0x3], $0x8000, $0x38;
	[tilespmem:$0x10100] =	vst v63  }
0x139: {  	_ =	swait.ge [sflag:s8], $0x8000  }
0x13a: {  	[sflag:s8] =	ssyncset.done $0x0  }
0x13b: {  	[sflag:s8] =	ssyncadd.s32 $0xFFFF8000  }
0x13c: {  	v3 =	vld [tilespmem:$0xC0];
	_ =	sdelay $0x4  }
0x13d: {  	v60 =	vshll.u32 v3, $0x3  }
0x13e: {  	v3 =	vand.u32 $0x7, v3;
	v4 =	vand.u32 $0xFFFFFFC0, v60  }
0x13f: {  	v3 =	vor.u32 v3, v4  }
0x140: {  	v4 =	vperm.xlane v3, v0;
	_ =	sdelay $0x1  }
0x141: {  	v4 =	vadd.s32 v1, v4;
	_ =	sdelay $0x4  }
0x142: {  	[tilespmem:s9], [sflag:$0x1] =	stream.indirect_vreg.gather [hbm4b:s3+s2], $0x80, v4, vm0, $0xb8;
	[tilespmem:$0x10100] =	vst v63  }
0x143: {  	v3 =	vperm.xlane v3, v2  }
0x144: {  	[tilespmem:s21], [sflag:$0x1] =	stream.indirect_vreg.gather [hbm4b:s4+s2], $0x80, v4, vm0, $0xb8;
	[tilespmem:$0x10100] =	vst v63  }
0x145: {  	v3 =	vadd.s32 v1, v3  }
0x146: {  	[tilespmem:s22], [sflag:$0x1] =	stream.indirect_vreg.gather [hbm4b:s5+s2], $0x80, v4, vm0, $0xb8;
	[tilespmem:$0x10100] =	vst v63  }
0x147: {  	_ = 	snop  }
0x148: {  	[tilespmem:s23], [sflag:$0x1] =	stream.indirect_vreg.gather [hbm4b:s6+s2], $0x80, v4, vm0, $0xb8;
	[tilespmem:$0x10100] =	vst v63  }
0x149: {  	_ = 	snop  }
0x14a: {  	[tilespmem:s24], [sflag:$0x1] =	stream.indirect_vreg.gather [hbm4b:s3+s2], $0x80, v3, vm0, $0xb8;
	[tilespmem:$0x10100] =	vst v63  }
0x14b: {  	_ = 	snop  }
0x14c: {  	[tilespmem:s26], [sflag:$0x1] =	stream.indirect_vreg.gather [hbm4b:s4+s2], $0x80, v3, vm0, $0xb8;
	[tilespmem:$0x10100] =	vst v63  }
0x14d: {  	_ = 	snop  }
0x14e: {  	[tilespmem:s28], [sflag:$0x1] =	stream.indirect_vreg.gather [hbm4b:s5+s2], $0x80, v3, vm0, $0xb8;
	[tilespmem:$0x10100] =	vst v63  }
0x14f: {  	_ = 	snop  }
0x150: {  	[tilespmem:s29], [sflag:$0x1] =	stream.indirect_vreg.gather [hbm4b:s6+s2], $0x80, v3, vm0, $0xb8;
	[tilespmem:$0x10100] =	vst v63  }
0x151: {  	v3 =	vld [tilespmem:$0xD0];
	_ =	sdelay $0x4  }
0x152: {  	v61 =	vshll.u32 v3, $0x3  }
0x153: {  	v3 =	vand.u32 $0x7, v3;
	v4 =	vand.u32 $0xFFFFFFC0, v61  }
0x154: {  	v3 =	vor.u32 v3, v4  }
0x155: {  	v4 =	vperm.xlane v3, v0;
	_ =	sdelay $0x1  }
0x156: {  	v4 =	vadd.s32 v1, v4;
	_ =	sdelay $0x4  }
0x157: {  	[tilespmem:s30], [sflag:$0x1] =	stream.indirect_vreg.gather [hbm4b:s3+s2], $0x80, v4, vm0, $0xb8;
	[tilespmem:$0x10100] =	vst v63  }
0x158: {  	v3 =	vperm.xlane v3, v2  }
0x159: {  	[tilespmem:s31], [sflag:$0x1] =	stream.indirect_vreg.gather [hbm4b:s4+s2], $0x80, v4, vm0, $0xb8;
	[tilespmem:$0x10100] =	vst v63  }
0x15a: {  	v3 =	vadd.s32 v1, v3  }
0x15b: {  	[tilespmem:s16], [sflag:$0x1] =	stream.indirect_vreg.gather [hbm4b:s5+s2], $0x80, v4, vm0, $0xb8;
	[tilespmem:$0x10100] =	vst v63  }
0x15c: {  	_ = 	snop  }
0x15d: {  	[tilespmem:s15], [sflag:$0x1] =	stream.indirect_vreg.gather [hbm4b:s6+s2], $0x80, v4, vm0, $0xb8;
	[tilespmem:$0x10100] =	vst v63  }
0x15e: {  	_ = 	snop  }
0x15f: {  	[tilespmem:s10], [sflag:$0x1] =	stream.indirect_vreg.gather [hbm4b:s3+s2], $0x80, v3, vm0, $0xb8;
	[tilespmem:$0x10100] =	vst v63  }
0x160: {  	_ = 	snop  }
0x161: {  	[tilespmem:s11], [sflag:$0x1] =	stream.indirect_vreg.gather [hbm4b:s4+s2], $0x80, v3, vm0, $0xb8;
	[tilespmem:$0x10100] =	vst v63  }
0x162: {  	_ = 	snop  }
0x163: {  	[tilespmem:s12], [sflag:$0x1] =	stream.indirect_vreg.gather [hbm4b:s5+s2], $0x80, v3, vm0, $0xb8;
	[tilespmem:$0x10100] =	vst v63  }
0x164: {  	_ = 	snop  }
0x165: {  	[tilespmem:s13], [sflag:$0x1] =	stream.indirect_vreg.gather [hbm4b:s6+s2], $0x80, v3, vm0, $0xb8;
	[tilespmem:$0x10100] =	vst v63  }
0x166: {  	_ =	swait.ge [sflag:s19], $0x8000  }
0x167: {  	[sflag:s19] =	ssyncset.done $0x0  }
0x168: {  	s10 =	rddreg [dreg:$0x9];
	[sflag:s19] =	ssyncadd.s32 $0xFFFF8000  }
0x169: {  	[hbm4b:s10+s2] =	stream.linear.scatter [tilespmem:s25], [sflag:$0x3], $0x8000, $0x38;
	[tilespmem:$0x10100] =	vst v63  }
0x16a: {  	_ =	swait.ge [sflag:s8], $0x8000  }
0x16b: {  	[sflag:s8] =	ssyncset.done $0x0  }
0x16c: {  	[sflag:s8] =	ssyncadd.s32 $0xFFFF8000  }
0x16d: {  	v3 =	vld [tilespmem:$0xE0];
	_ =	sdelay $0x4  }
0x16e: {  	v62 =	vshll.u32 v3, $0x3  }
0x16f: {  	v3 =	vand.u32 $0x7, v3;
	v4 =	vand.u32 $0xFFFFFFC0, v62  }
0x170: {  	v3 =	vor.u32 v3, v4  }
0x171: {  	v4 =	vperm.xlane v3, v0;
	_ =	sdelay $0x1  }
0x172: {  	v4 =	vadd.s32 v1, v4;
	_ =	sdelay $0x4  }
0x173: {  	[tilespmem:s25], [sflag:$0x2] =	stream.indirect_vreg.gather [hbm4b:s3+s2], $0x80, v4, vm0, $0xb8;
	[tilespmem:$0x10100] =	vst v63  }
0x174: {  	s20 =	simm.s32 $0x8900;
	v3 =	vperm.xlane v3, v2  }
0x175: {  	[tilespmem:s20], [sflag:$0x2] =	stream.indirect_vreg.gather [hbm4b:s4+s2], $0x80, v4, vm0, $0xb8;
	[tilespmem:$0x10100] =	vst v63  }
0x176: {  	s0 =	simm.s32 $0x9100;
	v3 =	vadd.s32 v1, v3  }
0x177: {  	[tilespmem:s0], [sflag:$0x2] =	stream.indirect_vreg.gather [hbm4b:s5+s2], $0x80, v4, vm0, $0xb8;
	[tilespmem:$0x10100] =	vst v63  }
0x178: {  	s1 =	simm.s32 $0x9900  }
0x179: {  	[tilespmem:s1], [sflag:$0x2] =	stream.indirect_vreg.gather [hbm4b:s6+s2], $0x80, v4, vm0, $0xb8;
	[tilespmem:$0x10100] =	vst v63  }
0x17a: {  	s10 =	simm.s32 $0xA100  }
0x17b: {  	[tilespmem:s10], [sflag:$0x2] =	stream.indirect_vreg.gather [hbm4b:s3+s2], $0x80, v3, vm0, $0xb8;
	[tilespmem:$0x10100] =	vst v63  }
0x17c: {  	s14 =	simm.s32 $0xA900  }
0x17d: {  	[tilespmem:s14], [sflag:$0x2] =	stream.indirect_vreg.gather [hbm4b:s4+s2], $0x80, v3, vm0, $0xb8;
	[tilespmem:$0x10100] =	vst v63  }
0x17e: {  	s17 =	simm.s32 $0xB100  }
0x17f: {  	[tilespmem:s17], [sflag:$0x2] =	stream.indirect_vreg.gather [hbm4b:s5+s2], $0x80, v3, vm0, $0xb8;
	[tilespmem:$0x10100] =	vst v63  }
0x180: {  	s17 =	simm.s32 $0xB900  }
0x181: {  	[tilespmem:s17], [sflag:$0x2] =	stream.indirect_vreg.gather [hbm4b:s6+s2], $0x80, v3, vm0, $0xb8;
	[tilespmem:$0x10100] =	vst v63  }
0x182: {  	v3 =	vld [tilespmem:$0xF0];
	_ =	sdelay $0x4  }
0x183: {  	v63 =	vshll.u32 v3, $0x3  }
0x184: {  	v3 =	vand.u32 $0x7, v3;
	v4 =	vand.u32 $0xFFFFFFC0, v63  }
0x185: {  	v3 =	vor.u32 v3, v4  }
0x186: {  	v4 =	vperm.xlane v3, v0;
	_ =	sdelay $0x1  }
0x187: {  	v4 =	vadd.s32 v1, v4;
	_ =	sdelay $0x3  }
0x188: {  	s20 =	simm.s32 $0xC100  }
0x189: {  	[tilespmem:s20], [sflag:$0x2] =	stream.indirect_vreg.gather [hbm4b:s3+s2], $0x80, v4, vm0, $0xb8;
	[tilespmem:$0x10100] =	vst v63  }
0x18a: {  	s1 =	simm.s32 $0xC900;
	v3 =	vperm.xlane v3, v2  }
0x18b: {  	[tilespmem:s1], [sflag:$0x2] =	stream.indirect_vreg.gather [hbm4b:s4+s2], $0x80, v4, vm0, $0xb8;
	[tilespmem:$0x10100] =	vst v63  }
0x18c: {  	s10 =	simm.s32 $0xD100;
	v3 =	vadd.s32 v1, v3  }
0x18d: {  	[tilespmem:s10], [sflag:$0x2] =	stream.indirect_vreg.gather [hbm4b:s5+s2], $0x80, v4, vm0, $0xb8;
	[tilespmem:$0x10100] =	vst v63  }
0x18e: {  	s14 =	simm.s32 $0xD900  }
0x18f: {  	[tilespmem:s14], [sflag:$0x2] =	stream.indirect_vreg.gather [hbm4b:s6+s2], $0x80, v4, vm0, $0xb8;
	[tilespmem:$0x10100] =	vst v63  }
0x190: {  	s17 =	simm.s32 $0xE100  }
0x191: {  	[tilespmem:s17], [sflag:$0x2] =	stream.indirect_vreg.gather [hbm4b:s3+s2], $0x80, v3, vm0, $0xb8;
	[tilespmem:$0x10100] =	vst v63  }
0x192: {  	s20 =	simm.s32 $0xE900  }
0x193: {  	[tilespmem:s20], [sflag:$0x2] =	stream.indirect_vreg.gather [hbm4b:s4+s2], $0x80, v3, vm0, $0xb8;
	[tilespmem:$0x10100] =	vst v63  }
0x194: {  	s1 =	simm.s32 $0xF100  }
0x195: {  	[tilespmem:s1], [sflag:$0x2] =	stream.indirect_vreg.gather [hbm4b:s5+s2], $0x80, v3, vm0, $0xb8;
	[tilespmem:$0x10100] =	vst v63  }
0x196: {  	s10 =	simm.s32 $0xF900  }
0x197: {  	[tilespmem:s10], [sflag:$0x2] =	stream.indirect_vreg.gather [hbm4b:s6+s2], $0x80, v3, vm0, $0xb8;
	[tilespmem:$0x10100] =	vst v63  }
0x198: {  	_ =	swait.ge [sflag:s18], $0x8000  }
0x199: {  	[sflag:s18] =	ssyncset.done $0x0  }
0x19a: {  	s14 =	rddreg [dreg:$0xa];
	[sflag:s18] =	ssyncadd.s32 $0xFFFF8000  }
0x19b: {  	[hbm4b:s14+s2] =	stream.linear.scatter [tilespmem:s9], [sflag:$0x3], $0x8000, $0x38;
	[tilespmem:$0x10100] =	vst v63  }
0x19c: {  	_ =	swait.ge [sflag:s8], $0x8000  }
0x19d: {  	[sflag:s8] =	ssyncset.done $0x0  }
0x19e: {  	[sflag:s8] =	ssyncadd.s32 $0xFFFF8000  }
0x19f: {  	_ =	swait.ge [sflag:s19], $0x8000  }
0x1a0: {  	p0 =	sne.s32 s7, $0x1;
	[sflag:s19] =	ssyncset.done $0x0  }
.Ltmp0:
0x1a1: {  	s17 =	rddreg [dreg:$0xb];
	[sflag:s19] =	ssyncadd.s32 $0xFFFF8000;
	(pc) =	sbr.rel @p0 .LBB2_1-.Ltmp0, $4  }
0x1a2: {  	[hbm4b:s17+s2] =	stream.linear.scatter [tilespmem:s25], [sflag:$0x3], $0x8000, $0x38;
	[tilespmem:$0x10100] =	vst v63  }
0x1a3: {  	_ =	swait.ge [sflag:s8], $0x8000  }
0x1a4: {  	[sflag:s8] =	ssyncset.done $0x0  }
0x1a5: {  	s7 =	sadd.s32 $0xFFFFFFFF, s7;
	[sflag:s8] =	ssyncadd.s32 $0xFFFF8000  }
0x1a6: {  	_ =	sfence.sel $0x180000  }
0x1a7: {  	[bflag:$0x0] =	sbarrier.arrive $0xFFFF  }
0x1a8: {  	_ =	strace $0x90000047  }
0x1a9: {  	s0 =	stileid.u32;
	[bflag:$0x2] =	sbarrier.arrive $0xFFFF  }
0x1aa: {  	p0 =	sne.s32 s0, $0x0;
	s0 =	rddreg [dreg:$0x2]  }
0x1ab: {  	s0 =	sadd.s32 @!p0 $0x100000, s0  }
0x1ac: {  	[sflag:s0] =	ssyncadd.tile.s32 @!p0 $0x1;
	_ =	shalt  }
.Lfunc_end2:
_tile_overlayer_lowered:
.L_overlay_start_2:
0x1ad: {  	(tag) =	ssettag $0x2  }
0x1ae: {  	s0 =	rddreg [dreg:$0x0];
	s2 =	stileid.u32  }
0x1af: {  	s1 =	rddreg [dreg:$0x1];
	p0 =	sne.s32 s2, $0x0  }
0x1b0: {  	s3 =	rddreg [dreg:$0x2];
	[bflag:$0x3] =	sbarrier.arrive $0xFFFF;
	s2 =	simm.s32 @!p0 $0x1C03  }
0x1b1: {  	[timem:s3], [sflag:s2] =	dma.local @!p0 [hbm:s0], s1  }
0x1b2: {  	s0 =	simm.s32 @!p0 $0x3  }
0x1b3: {  	_ =	swait.ge @!p0 [sflag:s0], s1  }
0x1b4: {  	s1 =	ssub.s32 @!p0 $0x0, s1;
	[sflag:s0] =	ssyncset.done @!p0 $0x0  }
0x1b5: {  	[sflag:s0] =	ssyncadd.s32 @!p0 s1  }
0x1b6: {  	[bflag:$0x3] =	sbarrier.arrive $0xFFFF  }
0x1b7: {  	_ =	shalt  }

</sc_bundles>
